<compile_context>
chip_gen: v7x
topology: tpu7x:2x2x1
jax: 0.10.2.dev20260603
libtpu: 0.0.44.dev20260713+nightly
codegen_flags: <defaults>
</compile_context>

<pallas_src>
import functools

import jax
import jax.numpy as jnp
from jax import lax
from jax.experimental import pallas as pl
from jax.experimental.pallas import tpu as pltpu
from jax.experimental.pallas import tpu_sc as plsc

_NC = 2
_NS = 16
_NW = _NC * _NS

_N = 10000
_NP = 10240
_E = 320000
_D = 128
_B = 1024
_A = 16

_CHUNK = 200
_PCHUNK = 104
_NIT = 100
_EPTP = _PCHUNK * _NIT
_EP = _EPTP * _NW
_EPT = _E // _NW
_RPT = _NP // _NS
_BPT = _B // _NW

_BM = 1024


def _sc_mesh():
    return plsc.VectorSubcoreMesh(core_axis_name="c", subcore_axis_name="s",
                                  num_cores=_NC, num_subcores=_NS)



def _deg_body(dst_hbm, ones_hbm, zeros_hbm, out_hbm, idx_d, ones_v, deg_sh):
    c = lax.axis_index("c")
    s = lax.axis_index("s")
    wid = c * _NS + s
    pltpu.sync_copy(zeros_hbm.at[pl.ds(s * _RPT, _RPT)],
                    deg_sh.at[pl.ds(s * _RPT, _RPT)])
    pltpu.sync_copy(ones_hbm, ones_v)
    plsc.subcore_barrier()

    def body(i, carry):
        base = wid * _EPT + i * _CHUNK
        pltpu.sync_copy(dst_hbm.at[pl.ds(base, _CHUNK)], idx_d)
        pltpu.sync_copy(ones_v, deg_sh.at[idx_d], add=True)
        return carry

    lax.fori_loop(0, _EPT // _CHUNK, body, 0)
    plsc.subcore_barrier()
    pltpu.sync_copy(deg_sh.at[pl.ds(s * _RPT, _RPT)],
                    out_hbm.at[pl.ds(c * _NP + s * _RPT, _RPT)])


@functools.cache
def _deg_kernel():
    return pl.kernel(
        _deg_body,
        mesh=_sc_mesh(),
        out_type=jax.ShapeDtypeStruct((_NC * _NP, _D), jnp.float32),
        scratch_types=[
            pltpu.VMEM((_CHUNK,), jnp.int32),
            pltpu.VMEM((_CHUNK, _D), jnp.float32),
            pltpu.VMEM_SHARED((_NP, _D), jnp.float32),
        ],
    )


def _deg_call(dst, ones128, zeros128):
    return _deg_kernel()(dst, ones128, zeros128)


def _prop_body(y_hbm, src_hbm, dst_hbm, zeros_hbm, out_hbm,
               idx_s, idx_d, rows0, rows1, sem0, sem1, z_sh):
    c = lax.axis_index("c")
    s = lax.axis_index("s")
    wid = c * _NS + s
    pltpu.sync_copy(zeros_hbm.at[pl.ds(s * _RPT, _RPT)],
                    z_sh.at[pl.ds(s * _RPT, _RPT)])
    eoff = wid * _EPTP
    pltpu.sync_copy(src_hbm.at[pl.ds(eoff, _EPTP)], idx_s)
    pltpu.sync_copy(dst_hbm.at[pl.ds(eoff, _EPTP)], idx_d)
    plsc.subcore_barrier()

    def gather(i, rows, sem):
        return pltpu.async_copy(
            y_hbm.at[idx_s.at[pl.ds(i * _PCHUNK, _PCHUNK)]], rows, sem)

    def scatter(i, rows):
        pltpu.sync_copy(rows, z_sh.at[idx_d.at[pl.ds(i * _PCHUNK, _PCHUNK)]],
                        add=True)

    gather(0, rows0, sem0)

    def body(j, carry):
        i = 2 * j
        gather(i + 1, rows1, sem1)
        pltpu.make_async_copy(
            y_hbm.at[idx_s.at[pl.ds(0, _PCHUNK)]], rows0, sem0).wait()
        scatter(i, rows0)

        @pl.when(i + 2 < _NIT)
        def _():
            gather(i + 2, rows0, sem0)

        pltpu.make_async_copy(
            y_hbm.at[idx_s.at[pl.ds(0, _PCHUNK)]], rows1, sem1).wait()
        scatter(i + 1, rows1)
        return carry

    lax.fori_loop(0, _NIT // 2, body, 0)
    plsc.subcore_barrier()
    pltpu.sync_copy(z_sh.at[pl.ds(s * _RPT, _RPT)],
                    out_hbm.at[pl.ds(c * _NP + s * _RPT, _RPT)])


@functools.cache
def _prop_kernel():
    return pl.kernel(
        _prop_body,
        mesh=_sc_mesh(),
        out_type=jax.ShapeDtypeStruct((_NC * _NP, _D), jnp.float32),
        scratch_types=[
            pltpu.VMEM((_EPTP,), jnp.int32),
            pltpu.VMEM((_EPTP,), jnp.int32),
            pltpu.VMEM((_PCHUNK, _D), jnp.float32),
            pltpu.VMEM((_PCHUNK, _D), jnp.float32),
            pltpu.SemaphoreType.DMA,
            pltpu.SemaphoreType.DMA,
            pltpu.VMEM_SHARED((_NP, _D), jnp.float32),
        ],
    )


def _prop_call(y, src, dst, zeros128):
    return _prop_kernel()(y, src, dst, zeros128)


def _gather_body(h_hbm, idx_hbm, out_hbm, idx_v, rows_v, sem):
    c = lax.axis_index("c")
    s = lax.axis_index("s")
    wid = c * _NS + s
    base = wid * _BPT
    pltpu.sync_copy(idx_hbm.at[pl.ds(base, _BPT)], idx_v)
    pltpu.async_copy(h_hbm.at[idx_v], rows_v, sem).wait()
    pltpu.sync_copy(rows_v, out_hbm.at[pl.ds(base, _BPT)])


@functools.cache
def _gather_kernel():
    return pl.kernel(
        _gather_body,
        mesh=_sc_mesh(),
        out_type=jax.ShapeDtypeStruct((_B, _D), jnp.float32),
        scratch_types=[
            pltpu.VMEM((_BPT,), jnp.int32),
            pltpu.VMEM((_BPT, _D), jnp.float32),
            pltpu.SemaphoreType.DMA,
        ],
    )


def _gather_call(h, idx):
    return _gather_kernel()(h, idx)



def _scale_body(deg0_ref, deg1_ref, x_ref, w1_ref, y1_ref, dinv_ref):
    deg = deg0_ref[...] + deg1_ref[...] + 1.0
    dinv = lax.rsqrt(deg)
    xw = jnp.dot(x_ref[...], w1_ref[...], preferred_element_type=jnp.float32)
    y1_ref[...] = xw * dinv
    dinv_ref[...] = dinv


def _scale_call(deg0, deg1, x, w1):
    grid = (_NP // _BM,)
    return pl.pallas_call(
        _scale_body,
        grid=grid,
        in_specs=[
            pl.BlockSpec((_BM, _D), lambda i: (i, 0)),
            pl.BlockSpec((_BM, _D), lambda i: (i, 0)),
            pl.BlockSpec((_BM, _D), lambda i: (i, 0)),
            pl.BlockSpec((_D, _D), lambda i: (0, 0)),
        ],
        out_specs=[
            pl.BlockSpec((_BM, _D), lambda i: (i, 0)),
            pl.BlockSpec((_BM, _D), lambda i: (i, 0)),
        ],
        out_shape=[
            jax.ShapeDtypeStruct((_NP, _D), jnp.float32),
            jax.ShapeDtypeStruct((_NP, _D), jnp.float32),
        ],
    )(deg0, deg1, x, w1)


def _mix_body(za_ref, zb_ref, y_ref, dinv_ref, b_ref, w_ref, out_ref):
    h = dinv_ref[...] * (za_ref[...] + zb_ref[...] + y_ref[...]) + b_ref[...]
    h = jnp.maximum(h, 0.0)
    y2 = jnp.dot(h, w_ref[...],
                 preferred_element_type=jnp.float32) * dinv_ref[...]
    row = (pl.program_id(0) * _BM
           + lax.broadcasted_iota(jnp.int32, (_BM, _D), 0))
    out_ref[...] = jnp.where(row < _N, y2, 0.0)


def _mix_call(za, zb, y, dinv, b_row, w):
    grid = (_NP // _BM,)
    return pl.pallas_call(
        _mix_body,
        grid=grid,
        in_specs=[
            pl.BlockSpec((_BM, _D), lambda i: (i, 0)),
            pl.BlockSpec((_BM, _D), lambda i: (i, 0)),
            pl.BlockSpec((_BM, _D), lambda i: (i, 0)),
            pl.BlockSpec((_BM, _D), lambda i: (i, 0)),
            pl.BlockSpec((1, _D), lambda i: (0, 0)),
            pl.BlockSpec((_D, _D), lambda i: (0, 0)),
        ],
        out_specs=pl.BlockSpec((_BM, _D), lambda i: (i, 0)),
        out_shape=jax.ShapeDtypeStruct((_NP, _D), jnp.float32),
    )(za, zb, y, dinv, b_row, w)


def _final_body(za_ref, zb_ref, y_ref, dinv_ref, b_ref, out_ref):
    h = dinv_ref[...] * (za_ref[...] + zb_ref[...] + y_ref[...]) + b_ref[...]
    out_ref[...] = jnp.maximum(h, 0.0)


def _final_call(za, zb, y, dinv, b_row):
    grid = (_NP // _BM,)
    return pl.pallas_call(
        _final_body,
        grid=grid,
        in_specs=[
            pl.BlockSpec((_BM, _D), lambda i: (i, 0)),
            pl.BlockSpec((_BM, _D), lambda i: (i, 0)),
            pl.BlockSpec((_BM, _D), lambda i: (i, 0)),
            pl.BlockSpec((_BM, _D), lambda i: (i, 0)),
            pl.BlockSpec((1, _D), lambda i: (0, 0)),
        ],
        out_specs=pl.BlockSpec((_BM, _D), lambda i: (i, 0)),
        out_shape=jax.ShapeDtypeStruct((_NP, _D), jnp.float32),
    )(za, zb, y, dinv, b_row)


def _head_body(emb_ref, wa_ref, ba_ref, mask_ref, gum_ref, wc_ref, bc_ref,
               lp_ref, act_ref, logp_ref, v_ref):
    emb = emb_ref[...]
    logits = jnp.dot(emb, wa_ref[...],
                     preferred_element_type=jnp.float32) + ba_ref[...]
    logits = jnp.where(mask_ref[...] != 0, logits, jnp.float32(-1000000.0))
    m = jnp.max(logits, axis=1, keepdims=True)
    lse = jnp.log(jnp.sum(jnp.exp(logits - m), axis=1, keepdims=True)) + m
    lp = logits - lse
    lp_ref[...] = lp
    g = logits + gum_ref[...]
    gm = jnp.max(g, axis=1, keepdims=True)
    iota = lax.broadcasted_iota(jnp.int32, (_B, _A), 1)
    act = jnp.min(jnp.where(g >= gm, iota, _A), axis=1, keepdims=True)
    act_ref[...] = act
    logp_ref[...] = jnp.sum(jnp.where(iota == act, lp, 0.0),
                            axis=1, keepdims=True)
    embb = emb.astype(jnp.bfloat16).astype(jnp.float32)
    wcb = wc_ref[...].astype(jnp.bfloat16).astype(jnp.float32)
    v_ref[...] = jnp.sum(embb * wcb, axis=1, keepdims=True) + bc_ref[...]


def _head_call(emb, wa, ba_row, mask_i32, gum, wc_row, bc_11):
    return pl.pallas_call(
        _head_body,
        out_shape=[
            jax.ShapeDtypeStruct((_B, _A), jnp.float32),
            jax.ShapeDtypeStruct((_B, 1), jnp.int32),
            jax.ShapeDtypeStruct((_B, 1), jnp.float32),
            jax.ShapeDtypeStruct((_B, 1), jnp.float32),
        ],
    )(emb, wa, ba_row, mask_i32, gum, wc_row, bc_11)



def kernel(node_features, edge_index, current_node_idx, batch_indices,
           action_masks, W1, b1, W2, b2, Wa, ba, Wc, bc):
    del batch_indices
    src = edge_index[0]
    dst = edge_index[1]

    x_pad = jnp.zeros((_NP, _D), jnp.float32).at[:_N].set(node_features)
    zeros128 = jnp.zeros((_NP, _D), jnp.float32)
    ones128 = jnp.ones((_CHUNK, _D), jnp.float32)
    gum = jax.random.gumbel(jax.random.key(42), (_B, _A), jnp.float32)

    degp = _deg_call(dst, ones128, zeros128)
    y1, dinv = _scale_call(degp[:_NP], degp[_NP:], x_pad, W1)
    ppt = _EPTP - _EPT
    pad_idx = jnp.arange(_NW * ppt, dtype=jnp.int32)
    pad_src = (_N + pad_idx % (_NP - _N)).reshape(_NW, ppt)
    pad_dst = ((pad_idx * 1051) % _NP).reshape(_NW, ppt)
    srcp = jnp.concatenate(
        [src.reshape(_NW, _EPT), pad_src], axis=1).reshape(-1)
    dstp = jnp.concatenate(
        [dst.reshape(_NW, _EPT), pad_dst], axis=1).reshape(-1)
    z1 = _prop_call(y1, srcp, dstp, zeros128)
    y2 = _mix_call(z1[:_NP], z1[_NP:], y1, dinv, b1.reshape(1, _D), W2)
    z2 = _prop_call(y2, srcp, dstp, zeros128)
    h2 = _final_call(z2[:_NP], z2[_NP:], y2, dinv, b2.reshape(1, _D))
    emb = _gather_call(h2, current_node_idx)

    log_probs, act, logp, vpred = _head_call(
        emb, Wa, ba.reshape(1, _A), action_masks.astype(jnp.int32), gum,
        Wc.reshape(1, _D), bc.reshape(1, 1))
    return log_probs, act[:, 0], logp[:, 0], vpred[:, 0]

# --- scband reference (transcript-rebuilt; emitter-appended) ---
"""Pipeline reference for scband-gnnpolicy-77171972375190 (READ-ONLY COPY).

The authoritative reference and input builder live on the scoring server;
editing this copy changes nothing except your own understanding.
"""

import jax, jax.numpy as jnp
import numpy as np

N = 10000
E = 320000
D = 128
H = 128
A = 16
B = 1024


def setup_inputs(seed: int = 0) -> dict:
    key = jax.random.key(seed)
    ks = jax.random.split(key, 12)
    node_features = jax.random.normal(ks[0], (N, D), dtype=jnp.float32)
    edge_index = jax.random.randint(ks[1], (2, E), 0, N, dtype=jnp.int32)
    current_node_idx = jax.random.randint(ks[2], (B,), 0, N, dtype=jnp.int32)
    batch_indices = jax.random.randint(ks[3], (B,), 0, B, dtype=jnp.int32)
    action_masks = jnp.ones((B, A), dtype=bool)
    W1 = jax.random.normal(ks[4], (D, H), dtype=jnp.float32) * (1.0 / np.sqrt(D))
    b1 = jnp.zeros((H,), dtype=jnp.float32)
    W2 = jax.random.normal(ks[5], (H, H), dtype=jnp.float32) * (1.0 / np.sqrt(H))
    b2 = jnp.zeros((H,), dtype=jnp.float32)
    Wa = jax.random.normal(ks[6], (H, A), dtype=jnp.float32) * (1.0 / np.sqrt(H))
    ba = jnp.zeros((A,), dtype=jnp.float32)
    Wc = jax.random.normal(ks[7], (H, 1), dtype=jnp.float32) * (1.0 / np.sqrt(H))
    bc = jnp.zeros((1,), dtype=jnp.float32)
    return {
        'node_features': node_features,
        'edge_index': edge_index,
        'current_node_idx': current_node_idx,
        'batch_indices': batch_indices,
        'action_masks': action_masks,
        'W1': W1, 'b1': b1, 'W2': W2, 'b2': b2,
        'Wa': Wa, 'ba': ba, 'Wc': Wc, 'bc': bc,
    }


def gcn_conv(x, edge_index, W, b):
    # torch_geometric GCNConv: add self-loops, symmetric normalization, x @ W then propagate
    num_nodes = x.shape[0]
    src = edge_index[0]
    dst = edge_index[1]
    loop = jnp.arange(num_nodes, dtype=src.dtype)
    src = jnp.concatenate([src, loop])
    dst = jnp.concatenate([dst, loop])
    deg = jnp.zeros((num_nodes,), dtype=x.dtype).at[dst].add(1.0)
    dinv = jnp.where(deg > 0, deg ** -0.5, 0.0)
    norm = dinv[src] * dinv[dst]
    xw = x @ W
    msg = xw[src] * norm[:, None]
    out = jnp.zeros((num_nodes, W.shape[1]), dtype=x.dtype).at[dst].add(msg)
    return out + b


def reference(node_features, edge_index, current_node_idx, batch_indices, action_masks,
              W1, b1, W2, b2, Wa, ba, Wc, bc):
    x = jax.nn.relu(gcn_conv(node_features, edge_index, W1, b1))
    x = jax.nn.relu(gcn_conv(x, edge_index, W2, b2))
    emb = x[current_node_idx]
    logits = emb @ Wa + ba
    logits = jnp.where(action_masks, logits, jnp.float32(-1000000.0))
    log_probs = jax.nn.log_softmax(logits, axis=-1)
    act = jax.random.categorical(jax.random.key(42), logits, axis=-1)
    logp = jnp.take_along_axis(log_probs, act[:, None], axis=1)[:, 0]
    vpred = (emb @ Wc + bc)[:, 0]
    return log_probs, act, logp, vpred

if __name__ == "__main__":
    import jax
    _d = setup_inputs()
    print(jax.jit(kernel)(*tuple(_d.values())))

</pallas_src>

<mosaic_0001>
#map = affine_map<(d0, d1) -> (0, 0)>
#map1 = affine_map<(d0, d1) -> (0)>
module attributes {stable_mosaic.version = 14 : i64} {
  func.func @_prop_body(%arg0: i32, %arg1: i32, %arg2: memref<10240x128xf32, #tpu.memory_space<hbm>>, %arg3: memref<332800xi32, #tpu.memory_space<hbm>>, %arg4: memref<332800xi32, #tpu.memory_space<hbm>>, %arg5: memref<10240x128xf32, #tpu.memory_space<hbm>>, %arg6: memref<20480x128xf32, #tpu.memory_space<hbm>>, %arg7: memref<10400xi32, #tpu.memory_space<vmem>>, %arg8: memref<10400xi32, #tpu.memory_space<vmem>>, %arg9: memref<104x128xf32, #tpu.memory_space<vmem>>, %arg10: memref<104x128xf32, #tpu.memory_space<vmem>>, %arg11: memref<!tpu.dma_semaphore, #tpu.memory_space<semaphore_mem>>, %arg12: memref<!tpu.dma_semaphore, #tpu.memory_space<semaphore_mem>>, %arg13: memref<10240x128xf32, #tpu.memory_space<vmem_shared>>) attributes {dimension_semantics = [#tpu.dimension_semantics<core_parallel>, #tpu.dimension_semantics<subcore_parallel>], iteration_bounds = array<i64: 2, 16>, scalar_prefetch = 0 : i64, scratch_operands = 7 : i64, tpu.core_type = #tpu.core_type<sc_vector_subcore>, window_params = [{transform_indices = #map}, {transform_indices = #map1}, {transform_indices = #map1}, {transform_indices = #map}, {transform_indices = #map}]} {
    %mul3A = arith.constant 16 : i32
    %mul3A_0 = arith.muli %arg0, %mul3A : i32
    %add3A = arith.addi %mul3A_0, %arg1 : i32
    %mul3A_1 = arith.constant 640 : i32
    %mul3A_2 = arith.muli %arg1, %mul3A_1 : i32
    %mul3A_3 = arith.constant 640 : i32
    %mul3A_4 = arith.muli %arg1, %mul3A_3 : i32
    "tpu.region"() ({
      %run_scoped3A = tpu.sem_alloc : memref<!tpu.dma_semaphore, #tpu.memory_space<semaphore_mem>>
      %dma_start3A_24 = arith.constant 0 : i32
      %dma_start3A_25 = tpu.memref_slice %arg13[%mul3A_4, %dma_start3A_24] : memref<10240x128xf32, #tpu.memory_space<vmem_shared>> -> memref<640x128xf32, #tpu.memory_space<vmem_shared>>
      %dma_start3A_26 = arith.constant 0 : i32
      %dma_start3A_27 = tpu.memref_slice %arg5[%mul3A_2, %dma_start3A_26] : memref<10240x128xf32, #tpu.memory_space<hbm>> -> memref<640x128xf32, #tpu.memory_space<hbm>>
      tpu.enqueue_dma source(%dma_start3A_27 : memref<640x128xf32, #tpu.memory_space<hbm>>) target(%dma_start3A_25 : memref<640x128xf32, #tpu.memory_space<vmem_shared>>) target_semaphore(%run_scoped3A : memref<!tpu.dma_semaphore, #tpu.memory_space<semaphore_mem>>)
      %dma_wait3A = arith.constant 0 : i32
      %dma_wait3A_28 = tpu.memref_slice %arg13[%mul3A_4, %dma_wait3A] : memref<10240x128xf32, #tpu.memory_space<vmem_shared>> -> memref<640x128xf32, #tpu.memory_space<vmem_shared>>
      %dma_wait3A_29 = arith.constant 0 : i32
      %dma_wait3A_30 = tpu.memref_slice %arg5[%mul3A_2, %dma_wait3A_29] : memref<10240x128xf32, #tpu.memory_space<hbm>> -> memref<640x128xf32, #tpu.memory_space<hbm>>
      tpu.wait_dma2 semaphore(%run_scoped3A : memref<!tpu.dma_semaphore, #tpu.memory_space<semaphore_mem>>) src(%dma_wait3A_30 : memref<640x128xf32, #tpu.memory_space<hbm>>) dst(%dma_wait3A_28 : memref<640x128xf32, #tpu.memory_space<vmem_shared>>)
      tpu.yield
    }) : () -> ()
    %mul3A_5 = arith.constant 10400 : i32
    %mul3A_6 = arith.muli %add3A, %mul3A_5 : i32
    "tpu.region"() ({
      %run_scoped3A = tpu.sem_alloc : memref<!tpu.dma_semaphore, #tpu.memory_space<semaphore_mem>>
      %dma_start3A_24 = tpu.memref_slice %arg3[%mul3A_6] : memref<332800xi32, #tpu.memory_space<hbm>> -> memref<10400xi32, #tpu.memory_space<hbm>>
      %dma_start3A_25 = tpu.memref_slice %arg3[%mul3A_6] : memref<332800xi32, #tpu.memory_space<hbm>> -> memref<10400xi32, #tpu.memory_space<hbm>>
      tpu.enqueue_dma source(%dma_start3A_25 : memref<10400xi32, #tpu.memory_space<hbm>>) target(%arg7 : memref<10400xi32, #tpu.memory_space<vmem>>) target_semaphore(%run_scoped3A : memref<!tpu.dma_semaphore, #tpu.memory_space<semaphore_mem>>)
      %dma_wait3A = tpu.memref_slice %arg3[%mul3A_6] : memref<332800xi32, #tpu.memory_space<hbm>> -> memref<10400xi32, #tpu.memory_space<hbm>>
      %dma_wait3A_26 = tpu.memref_slice %arg3[%mul3A_6] : memref<332800xi32, #tpu.memory_space<hbm>> -> memref<10400xi32, #tpu.memory_space<hbm>>
      tpu.wait_dma2 semaphore(%run_scoped3A : memref<!tpu.dma_semaphore, #tpu.memory_space<semaphore_mem>>) src(%dma_wait3A_26 : memref<10400xi32, #tpu.memory_space<hbm>>) dst(%arg7 : memref<10400xi32, #tpu.memory_space<vmem>>)
      tpu.yield
    }) : () -> ()
    "tpu.region"() ({
      %run_scoped3A = tpu.sem_alloc : memref<!tpu.dma_semaphore, #tpu.memory_space<semaphore_mem>>
      %dma_start3A_24 = tpu.memref_slice %arg4[%mul3A_6] : memref<332800xi32, #tpu.memory_space<hbm>> -> memref<10400xi32, #tpu.memory_space<hbm>>
      %dma_start3A_25 = tpu.memref_slice %arg4[%mul3A_6] : memref<332800xi32, #tpu.memory_space<hbm>> -> memref<10400xi32, #tpu.memory_space<hbm>>
      tpu.enqueue_dma source(%dma_start3A_25 : memref<10400xi32, #tpu.memory_space<hbm>>) target(%arg8 : memref<10400xi32, #tpu.memory_space<vmem>>) target_semaphore(%run_scoped3A : memref<!tpu.dma_semaphore, #tpu.memory_space<semaphore_mem>>)
      %dma_wait3A = tpu.memref_slice %arg4[%mul3A_6] : memref<332800xi32, #tpu.memory_space<hbm>> -> memref<10400xi32, #tpu.memory_space<hbm>>
      %dma_wait3A_26 = tpu.memref_slice %arg4[%mul3A_6] : memref<332800xi32, #tpu.memory_space<hbm>> -> memref<10400xi32, #tpu.memory_space<hbm>>
      tpu.wait_dma2 semaphore(%run_scoped3A : memref<!tpu.dma_semaphore, #tpu.memory_space<semaphore_mem>>) src(%dma_wait3A_26 : memref<10400xi32, #tpu.memory_space<hbm>>) dst(%arg8 : memref<10400xi32, #tpu.memory_space<vmem>>)
      tpu.yield
    }) : () -> ()
    %barrier3A = arith.constant 0 : index
    tpu.barrier barrier_id(%barrier3A)
    %dma_start3A = arith.constant 0 : i32
    %dma_start3A_7 = tpu.memref_slice %arg7[%dma_start3A] : memref<10400xi32, #tpu.memory_space<vmem>> -> memref<104xi32, #tpu.memory_space<vmem>>
    %dma_start3A_8 = arith.constant 0 : i32
    %dma_start3A_9 = arith.constant 0 : i32
    %dma_start3A_10 = tpu.memref_slice %arg2[%dma_start3A_8, %dma_start3A_9] : memref<10240x128xf32, #tpu.memory_space<hbm>> -> memref<10240x128xf32, #tpu.memory_space<hbm>>
    tpu.enqueue_indirect_dma source(%dma_start3A_10 : memref<10240x128xf32, #tpu.memory_space<hbm>>) target(%arg9 : memref<104x128xf32, #tpu.memory_space<vmem>>) offsets(%dma_start3A_7 : memref<104xi32, #tpu.memory_space<vmem>>) semaphore(%arg11 : memref<!tpu.dma_semaphore, #tpu.memory_space<semaphore_mem>>)
    %scan3A = arith.constant 0 : i32
    %scan3A_11 = arith.constant 0 : i32
    %scan3A_12 = arith.constant 50 : i32
    %scan3A_13 = arith.addi %scan3A_11, %scan3A_12 : i32
    %scan3A_14 = arith.constant 1 : i32
    scf.for %scan3A_24 = %scan3A_11 to %scan3A_13 step %scan3A_14  : i32 {
      %mul3A_25 = arith.constant 2 : i32
      %mul3A_26 = arith.muli %mul3A_25, %scan3A_24 : i32
      %add3A_27 = arith.constant 1 : i32
      %add3A_28 = arith.addi %mul3A_26, %add3A_27 : i32
      %mul3A_29 = arith.constant 104 : i32
      %mul3A_30 = arith.muli %add3A_28, %mul3A_29 : i32
      %dma_start3A_31 = tpu.memref_slice %arg7[%mul3A_30] : memref<10400xi32, #tpu.memory_space<vmem>> -> memref<104xi32, #tpu.memory_space<vmem>>
      %dma_start3A_32 = arith.constant 0 : i32
      %dma_start3A_33 = arith.constant 0 : i32
      %dma_start3A_34 = tpu.memref_slice %arg2[%dma_start3A_32, %dma_start3A_33] : memref<10240x128xf32, #tpu.memory_space<hbm>> -> memref<10240x128xf32, #tpu.memory_space<hbm>>
      tpu.enqueue_indirect_dma source(%dma_start3A_34 : memref<10240x128xf32, #tpu.memory_space<hbm>>) target(%arg10 : memref<104x128xf32, #tpu.memory_space<vmem>>) offsets(%dma_start3A_31 : memref<104xi32, #tpu.memory_space<vmem>>) semaphore(%arg12 : memref<!tpu.dma_semaphore, #tpu.memory_space<semaphore_mem>>)
      %dma_wait3A = arith.constant 0 : i32
      %dma_wait3A_35 = tpu.memref_slice %arg7[%dma_wait3A] : memref<10400xi32, #tpu.memory_space<vmem>> -> memref<104xi32, #tpu.memory_space<vmem>>
      %dma_wait3A_36 = arith.constant 0 : i32
      %dma_wait3A_37 = arith.constant 0 : i32
      %dma_wait3A_38 = tpu.memref_slice %arg2[%dma_wait3A_36, %dma_wait3A_37] : memref<10240x128xf32, #tpu.memory_space<hbm>> -> memref<10240x128xf32, #tpu.memory_space<hbm>>
      tpu.wait_indirect_dma semaphore(%arg11 : memref<!tpu.dma_semaphore, #tpu.memory_space<semaphore_mem>>) src(%dma_wait3A_38 : memref<10240x128xf32, #tpu.memory_space<hbm>>) dst(%arg9 : memref<104x128xf32, #tpu.memory_space<vmem>>)
      %mul3A_39 = arith.constant 104 : i32
      %mul3A_40 = arith.muli %mul3A_26, %mul3A_39 : i32
      "tpu.region"() ({
        %run_scoped3A = tpu.sem_alloc : memref<!tpu.dma_semaphore, #tpu.memory_space<semaphore_mem>>
        %dma_start3A_54 = tpu.memref_slice %arg8[%mul3A_40] : memref<10400xi32, #tpu.memory_space<vmem>> -> memref<104xi32, #tpu.memory_space<vmem>>
        %dma_start3A_55 = arith.constant 0 : i32
        %dma_start3A_56 = arith.constant 0 : i32
        %dma_start3A_57 = tpu.memref_slice %arg13[%dma_start3A_55, %dma_start3A_56] : memref<10240x128xf32, #tpu.memory_space<vmem_shared>> -> memref<10240x128xf32, #tpu.memory_space<vmem_shared>>
        tpu.enqueue_indirect_dma source(%arg9 : memref<104x128xf32, #tpu.memory_space<vmem>>) target(%dma_start3A_57 : memref<10240x128xf32, #tpu.memory_space<vmem_shared>>) offsets(%dma_start3A_54 : memref<104xi32, #tpu.memory_space<vmem>>) semaphore(%run_scoped3A : memref<!tpu.dma_semaphore, #tpu.memory_space<semaphore_mem>>) {add = true}
        %dma_wait3A_58 = tpu.memref_slice %arg8[%mul3A_40] : memref<10400xi32, #tpu.memory_space<vmem>> -> memref<104xi32, #tpu.memory_space<vmem>>
        %dma_wait3A_59 = arith.constant 0 : i32
        %dma_wait3A_60 = arith.constant 0 : i32
        %dma_wait3A_61 = tpu.memref_slice %arg13[%dma_wait3A_59, %dma_wait3A_60] : memref<10240x128xf32, #tpu.memory_space<vmem_shared>> -> memref<10240x128xf32, #tpu.memory_space<vmem_shared>>
        tpu.wait_indirect_dma semaphore(%run_scoped3A : memref<!tpu.dma_semaphore, #tpu.memory_space<semaphore_mem>>) src(%arg9 : memref<104x128xf32, #tpu.memory_space<vmem>>) dst(%dma_wait3A_61 : memref<10240x128xf32, #tpu.memory_space<vmem_shared>>)
        tpu.yield
      }) : () -> ()
      %add3A_41 = arith.constant 2 : i32
      %add3A_42 = arith.addi %mul3A_26, %add3A_41 : i32
      %lt3A = arith.constant 100 : i32
      %lt3A_43 = arith.cmpi slt, %add3A_42, %lt3A : i32
      %convert_element_type3A = arith.extui %lt3A_43 : i1 to i32
      %cond3A = arith.constant 0 : i32
      %cond3A_44 = arith.cmpi ne, %convert_element_type3A, %cond3A : i32
      scf.if %cond3A_44 {
        %add3A_54 = arith.constant 2 : i32
        %add3A_55 = arith.addi %mul3A_26, %add3A_54 : i32
        %mul3A_56 = arith.constant 104 : i32
        %mul3A_57 = arith.muli %add3A_55, %mul3A_56 : i32
        %dma_start3A_58 = tpu.memref_slice %arg7[%mul3A_57] : memref<10400xi32, #tpu.memory_space<vmem>> -> memref<104xi32, #tpu.memory_space<vmem>>
        %dma_start3A_59 = arith.constant 0 : i32
        %dma_start3A_60 = arith.constant 0 : i32
        %dma_start3A_61 = tpu.memref_slice %arg2[%dma_start3A_59, %dma_start3A_60] : memref<10240x128xf32, #tpu.memory_space<hbm>> -> memref<10240x128xf32, #tpu.memory_space<hbm>>
        tpu.enqueue_indirect_dma source(%dma_start3A_61 : memref<10240x128xf32, #tpu.memory_space<hbm>>) target(%arg9 : memref<104x128xf32, #tpu.memory_space<vmem>>) offsets(%dma_start3A_58 : memref<104xi32, #tpu.memory_space<vmem>>) semaphore(%arg11 : memref<!tpu.dma_semaphore, #tpu.memory_space<semaphore_mem>>)
      } else {
      }
      %dma_wait3A_45 = arith.constant 0 : i32
      %dma_wait3A_46 = tpu.memref_slice %arg7[%dma_wait3A_45] : memref<10400xi32, #tpu.memory_space<vmem>> -> memref<104xi32, #tpu.memory_space<vmem>>
      %dma_wait3A_47 = arith.constant 0 : i32
      %dma_wait3A_48 = arith.constant 0 : i32
      %dma_wait3A_49 = tpu.memref_slice %arg2[%dma_wait3A_47, %dma_wait3A_48] : memref<10240x128xf32, #tpu.memory_space<hbm>> -> memref<10240x128xf32, #tpu.memory_space<hbm>>
      tpu.wait_indirect_dma semaphore(%arg12 : memref<!tpu.dma_semaphore, #tpu.memory_space<semaphore_mem>>) src(%dma_wait3A_49 : memref<10240x128xf32, #tpu.memory_space<hbm>>) dst(%arg10 : memref<104x128xf32, #tpu.memory_space<vmem>>)
      %add3A_50 = arith.constant 1 : i32
      %add3A_51 = arith.addi %mul3A_26, %add3A_50 : i32
      %mul3A_52 = arith.constant 104 : i32
      %mul3A_53 = arith.muli %add3A_51, %mul3A_52 : i32
      "tpu.region"() ({
        %run_scoped3A = tpu.sem_alloc : memref<!tpu.dma_semaphore, #tpu.memory_space<semaphore_mem>>
        %dma_start3A_54 = tpu.memref_slice %arg8[%mul3A_53] : memref<10400xi32, #tpu.memory_space<vmem>> -> memref<104xi32, #tpu.memory_space<vmem>>
        %dma_start3A_55 = arith.constant 0 : i32
        %dma_start3A_56 = arith.constant 0 : i32
        %dma_start3A_57 = tpu.memref_slice %arg13[%dma_start3A_55, %dma_start3A_56] : memref<10240x128xf32, #tpu.memory_space<vmem_shared>> -> memref<10240x128xf32, #tpu.memory_space<vmem_shared>>
        tpu.enqueue_indirect_dma source(%arg10 : memref<104x128xf32, #tpu.memory_space<vmem>>) target(%dma_start3A_57 : memref<10240x128xf32, #tpu.memory_space<vmem_shared>>) offsets(%dma_start3A_54 : memref<104xi32, #tpu.memory_space<vmem>>) semaphore(%run_scoped3A : memref<!tpu.dma_semaphore, #tpu.memory_space<semaphore_mem>>) {add = true}
        %dma_wait3A_58 = tpu.memref_slice %arg8[%mul3A_53] : memref<10400xi32, #tpu.memory_space<vmem>> -> memref<104xi32, #tpu.memory_space<vmem>>
        %dma_wait3A_59 = arith.constant 0 : i32
        %dma_wait3A_60 = arith.constant 0 : i32
        %dma_wait3A_61 = tpu.memref_slice %arg13[%dma_wait3A_59, %dma_wait3A_60] : memref<10240x128xf32, #tpu.memory_space<vmem_shared>> -> memref<10240x128xf32, #tpu.memory_space<vmem_shared>>
        tpu.wait_indirect_dma semaphore(%run_scoped3A : memref<!tpu.dma_semaphore, #tpu.memory_space<semaphore_mem>>) src(%arg10 : memref<104x128xf32, #tpu.memory_space<vmem>>) dst(%dma_wait3A_61 : memref<10240x128xf32, #tpu.memory_space<vmem_shared>>)
        tpu.yield
      }) : () -> ()
    }
    %scan3A_15 = arith.constant 50 : i32
    %barrier3A_16 = arith.constant 0 : index
    tpu.barrier barrier_id(%barrier3A_16)
    %mul3A_17 = arith.constant 640 : i32
    %mul3A_18 = arith.muli %arg1, %mul3A_17 : i32
    %mul3A_19 = arith.constant 10240 : i32
    %mul3A_20 = arith.muli %arg0, %mul3A_19 : i32
    %mul3A_21 = arith.constant 640 : i32
    %mul3A_22 = arith.muli %arg1, %mul3A_21 : i32
    %add3A_23 = arith.addi %mul3A_20, %mul3A_22 : i32
    "tpu.region"() ({
      %run_scoped3A = tpu.sem_alloc : memref<!tpu.dma_semaphore, #tpu.memory_space<semaphore_mem>>
      %dma_start3A_24 = arith.constant 0 : i32
      %dma_start3A_25 = tpu.memref_slice %arg6[%add3A_23, %dma_start3A_24] : memref<20480x128xf32, #tpu.memory_space<hbm>> -> memref<640x128xf32, #tpu.memory_space<hbm>>
      %dma_start3A_26 = arith.constant 0 : i32
      %dma_start3A_27 = tpu.memref_slice %arg13[%mul3A_18, %dma_start3A_26] : memref<10240x128xf32, #tpu.memory_space<vmem_shared>> -> memref<640x128xf32, #tpu.memory_space<vmem_shared>>
      tpu.enqueue_dma source(%dma_start3A_27 : memref<640x128xf32, #tpu.memory_space<vmem_shared>>) target(%dma_start3A_25 : memref<640x128xf32, #tpu.memory_space<hbm>>) target_semaphore(%run_scoped3A : memref<!tpu.dma_semaphore, #tpu.memory_space<semaphore_mem>>)
      %dma_wait3A = arith.constant 0 : i32
      %dma_wait3A_28 = tpu.memref_slice %arg6[%add3A_23, %dma_wait3A] : memref<20480x128xf32, #tpu.memory_space<hbm>> -> memref<640x128xf32, #tpu.memory_space<hbm>>
      %dma_wait3A_29 = arith.constant 0 : i32
      %dma_wait3A_30 = tpu.memref_slice %arg13[%mul3A_18, %dma_wait3A_29] : memref<10240x128xf32, #tpu.memory_space<vmem_shared>> -> memref<640x128xf32, #tpu.memory_space<vmem_shared>>
      tpu.wait_dma2 semaphore(%run_scoped3A : memref<!tpu.dma_semaphore, #tpu.memory_space<semaphore_mem>>) src(%dma_wait3A_30 : memref<640x128xf32, #tpu.memory_space<vmem_shared>>) dst(%dma_wait3A_28 : memref<640x128xf32, #tpu.memory_space<hbm>>)
      tpu.yield
    }) : () -> ()
    return
  }
}

#map = affine_map<(d0, d1) -> (0, 0)>
#map1 = affine_map<(d0, d1) -> (0)>
module attributes {stable_mosaic.version = 14 : i64} {
  func.func @_gather_body(%arg0: i32, %arg1: i32, %arg2: memref<10240x128xf32, #tpu.memory_space<hbm>>, %arg3: memref<1024xi32, #tpu.memory_space<hbm>>, %arg4: memref<1024x128xf32, #tpu.memory_space<hbm>>, %arg5: memref<32xi32, #tpu.memory_space<vmem>>, %arg6: memref<32x128xf32, #tpu.memory_space<vmem>>, %arg7: memref<!tpu.dma_semaphore, #tpu.memory_space<semaphore_mem>>) attributes {dimension_semantics = [#tpu.dimension_semantics<core_parallel>, #tpu.dimension_semantics<subcore_parallel>], iteration_bounds = array<i64: 2, 16>, scalar_prefetch = 0 : i64, scratch_operands = 3 : i64, tpu.core_type = #tpu.core_type<sc_vector_subcore>, window_params = [{transform_indices = #map}, {transform_indices = #map1}, {transform_indices = #map}]} {
    %mul3A = arith.constant 16 : i32
    %mul3A_0 = arith.muli %arg0, %mul3A : i32
    %add3A = arith.addi %mul3A_0, %arg1 : i32
    %mul3A_1 = arith.constant 32 : i32
    %mul3A_2 = arith.muli %add3A, %mul3A_1 : i32
    "tpu.region"() ({
      %run_scoped3A = tpu.sem_alloc : memref<!tpu.dma_semaphore, #tpu.memory_space<semaphore_mem>>
      %dma_start3A_7 = tpu.memref_slice %arg3[%mul3A_2] : memref<1024xi32, #tpu.memory_space<hbm>> -> memref<32xi32, #tpu.memory_space<hbm>>
      %dma_start3A_8 = tpu.memref_slice %arg3[%mul3A_2] : memref<1024xi32, #tpu.memory_space<hbm>> -> memref<32xi32, #tpu.memory_space<hbm>>
      tpu.enqueue_dma source(%dma_start3A_8 : memref<32xi32, #tpu.memory_space<hbm>>) target(%arg5 : memref<32xi32, #tpu.memory_space<vmem>>) target_semaphore(%run_scoped3A : memref<!tpu.dma_semaphore, #tpu.memory_space<semaphore_mem>>)
      %dma_wait3A_9 = tpu.memref_slice %arg3[%mul3A_2] : memref<1024xi32, #tpu.memory_space<hbm>> -> memref<32xi32, #tpu.memory_space<hbm>>
      %dma_wait3A_10 = tpu.memref_slice %arg3[%mul3A_2] : memref<1024xi32, #tpu.memory_space<hbm>> -> memref<32xi32, #tpu.memory_space<hbm>>
      tpu.wait_dma2 semaphore(%run_scoped3A : memref<!tpu.dma_semaphore, #tpu.memory_space<semaphore_mem>>) src(%dma_wait3A_10 : memref<32xi32, #tpu.memory_space<hbm>>) dst(%arg5 : memref<32xi32, #tpu.memory_space<vmem>>)
      tpu.yield
    }) : () -> ()
    %dma_start3A = arith.constant 0 : i32
    %dma_start3A_3 = arith.constant 0 : i32
    %dma_start3A_4 = tpu.memref_slice %arg2[%dma_start3A, %dma_start3A_3] : memref<10240x128xf32, #tpu.memory_space<hbm>> -> memref<10240x128xf32, #tpu.memory_space<hbm>>
    tpu.enqueue_indirect_dma source(%dma_start3A_4 : memref<10240x128xf32, #tpu.memory_space<hbm>>) target(%arg6 : memref<32x128xf32, #tpu.memory_space<vmem>>) offsets(%arg5 : memref<32xi32, #tpu.memory_space<vmem>>) semaphore(%arg7 : memref<!tpu.dma_semaphore, #tpu.memory_space<semaphore_mem>>)
    %dma_wait3A = arith.constant 0 : i32
    %dma_wait3A_5 = arith.constant 0 : i32
    %dma_wait3A_6 = tpu.memref_slice %arg2[%dma_wait3A, %dma_wait3A_5] : memref<10240x128xf32, #tpu.memory_space<hbm>> -> memref<10240x128xf32, #tpu.memory_space<hbm>>
    tpu.wait_indirect_dma semaphore(%arg7 : memref<!tpu.dma_semaphore, #tpu.memory_space<semaphore_mem>>) src(%dma_wait3A_6 : memref<10240x128xf32, #tpu.memory_space<hbm>>) dst(%arg6 : memref<32x128xf32, #tpu.memory_space<vmem>>)
    "tpu.region"() ({
      %run_scoped3A = tpu.sem_alloc : memref<!tpu.dma_semaphore, #tpu.memory_space<semaphore_mem>>
      %dma_start3A_7 = arith.constant 0 : i32
      %dma_start3A_8 = tpu.memref_slice %arg4[%mul3A_2, %dma_start3A_7] : memref<1024x128xf32, #tpu.memory_space<hbm>> -> memref<32x128xf32, #tpu.memory_space<hbm>>
      %dma_start3A_9 = arith.constant 0 : i32
      %dma_start3A_10 = tpu.memref_slice %arg4[%mul3A_2, %dma_start3A_9] : memref<1024x128xf32, #tpu.memory_space<hbm>> -> memref<32x128xf32, #tpu.memory_space<hbm>>
      tpu.enqueue_dma source(%arg6 : memref<32x128xf32, #tpu.memory_space<vmem>>) target(%dma_start3A_10 : memref<32x128xf32, #tpu.memory_space<hbm>>) target_semaphore(%run_scoped3A : memref<!tpu.dma_semaphore, #tpu.memory_space<semaphore_mem>>)
      %dma_wait3A_11 = arith.constant 0 : i32
      %dma_wait3A_12 = tpu.memref_slice %arg4[%mul3A_2, %dma_wait3A_11] : memref<1024x128xf32, #tpu.memory_space<hbm>> -> memref<32x128xf32, #tpu.memory_space<hbm>>
      %dma_wait3A_13 = arith.constant 0 : i32
      %dma_wait3A_14 = tpu.memref_slice %arg4[%mul3A_2, %dma_wait3A_13] : memref<1024x128xf32, #tpu.memory_space<hbm>> -> memref<32x128xf32, #tpu.memory_space<hbm>>
      tpu.wait_dma2 semaphore(%run_scoped3A : memref<!tpu.dma_semaphore, #tpu.memory_space<semaphore_mem>>) src(%arg6 : memref<32x128xf32, #tpu.memory_space<vmem>>) dst(%dma_wait3A_14 : memref<32x128xf32, #tpu.memory_space<hbm>>)
      tpu.yield
    }) : () -> ()
    return
  }
}

#map = affine_map<(d0, d1) -> (0, 0)>
#map1 = affine_map<(d0, d1) -> (0)>
module attributes {stable_mosaic.version = 14 : i64} {
  func.func @_prop_body(%arg0: i32, %arg1: i32, %arg2: memref<10240x128xf32, #tpu.memory_space<hbm>>, %arg3: memref<332800xi32, #tpu.memory_space<hbm>>, %arg4: memref<332800xi32, #tpu.memory_space<hbm>>, %arg5: memref<10240x128xf32, #tpu.memory_space<hbm>>, %arg6: memref<20480x128xf32, #tpu.memory_space<hbm>>, %arg7: memref<10400xi32, #tpu.memory_space<vmem>>, %arg8: memref<10400xi32, #tpu.memory_space<vmem>>, %arg9: memref<104x128xf32, #tpu.memory_space<vmem>>, %arg10: memref<104x128xf32, #tpu.memory_space<vmem>>, %arg11: memref<!tpu.dma_semaphore, #tpu.memory_space<semaphore_mem>>, %arg12: memref<!tpu.dma_semaphore, #tpu.memory_space<semaphore_mem>>, %arg13: memref<10240x128xf32, #tpu.memory_space<vmem_shared>>) attributes {dimension_semantics = [#tpu.dimension_semantics<core_parallel>, #tpu.dimension_semantics<subcore_parallel>], iteration_bounds = array<i64: 2, 16>, scalar_prefetch = 0 : i64, scratch_operands = 7 : i64, tpu.core_type = #tpu.core_type<sc_vector_subcore>, window_params = [{transform_indices = #map}, {transform_indices = #map1}, {transform_indices = #map1}, {transform_indices = #map}, {transform_indices = #map}]} {
    %mul3A = arith.constant 16 : i32
    %mul3A_0 = arith.muli %arg0, %mul3A : i32
    %add3A = arith.addi %mul3A_0, %arg1 : i32
    %mul3A_1 = arith.constant 640 : i32
    %mul3A_2 = arith.muli %arg1, %mul3A_1 : i32
    %mul3A_3 = arith.constant 640 : i32
    %mul3A_4 = arith.muli %arg1, %mul3A_3 : i32
    "tpu.region"() ({
      %run_scoped3A = tpu.sem_alloc : memref<!tpu.dma_semaphore, #tpu.memory_space<semaphore_mem>>
      %dma_start3A_24 = arith.constant 0 : i32
      %dma_start3A_25 = tpu.memref_slice %arg13[%mul3A_4, %dma_start3A_24] : memref<10240x128xf32, #tpu.memory_space<vmem_shared>> -> memref<640x128xf32, #tpu.memory_space<vmem_shared>>
      %dma_start3A_26 = arith.constant 0 : i32
      %dma_start3A_27 = tpu.memref_slice %arg5[%mul3A_2, %dma_start3A_26] : memref<10240x128xf32, #tpu.memory_space<hbm>> -> memref<640x128xf32, #tpu.memory_space<hbm>>
      tpu.enqueue_dma source(%dma_start3A_27 : memref<640x128xf32, #tpu.memory_space<hbm>>) target(%dma_start3A_25 : memref<640x128xf32, #tpu.memory_space<vmem_shared>>) target_semaphore(%run_scoped3A : memref<!tpu.dma_semaphore, #tpu.memory_space<semaphore_mem>>)
      %dma_wait3A = arith.constant 0 : i32
      %dma_wait3A_28 = tpu.memref_slice %arg13[%mul3A_4, %dma_wait3A] : memref<10240x128xf32, #tpu.memory_space<vmem_shared>> -> memref<640x128xf32, #tpu.memory_space<vmem_shared>>
      %dma_wait3A_29 = arith.constant 0 : i32
      %dma_wait3A_30 = tpu.memref_slice %arg5[%mul3A_2, %dma_wait3A_29] : memref<10240x128xf32, #tpu.memory_space<hbm>> -> memref<640x128xf32, #tpu.memory_space<hbm>>
      tpu.wait_dma2 semaphore(%run_scoped3A : memref<!tpu.dma_semaphore, #tpu.memory_space<semaphore_mem>>) src(%dma_wait3A_30 : memref<640x128xf32, #tpu.memory_space<hbm>>) dst(%dma_wait3A_28 : memref<640x128xf32, #tpu.memory_space<vmem_shared>>)
      tpu.yield
    }) : () -> ()
    %mul3A_5 = arith.constant 10400 : i32
    %mul3A_6 = arith.muli %add3A, %mul3A_5 : i32
    "tpu.region"() ({
      %run_scoped3A = tpu.sem_alloc : memref<!tpu.dma_semaphore, #tpu.memory_space<semaphore_mem>>
      %dma_start3A_24 = tpu.memref_slice %arg3[%mul3A_6] : memref<332800xi32, #tpu.memory_space<hbm>> -> memref<10400xi32, #tpu.memory_space<hbm>>
      %dma_start3A_25 = tpu.memref_slice %arg3[%mul3A_6] : memref<332800xi32, #tpu.memory_space<hbm>> -> memref<10400xi32, #tpu.memory_space<hbm>>
      tpu.enqueue_dma source(%dma_start3A_25 : memref<10400xi32, #tpu.memory_space<hbm>>) target(%arg7 : memref<10400xi32, #tpu.memory_space<vmem>>) target_semaphore(%run_scoped3A : memref<!tpu.dma_semaphore, #tpu.memory_space<semaphore_mem>>)
      %dma_wait3A = tpu.memref_slice %arg3[%mul3A_6] : memref<332800xi32, #tpu.memory_space<hbm>> -> memref<10400xi32, #tpu.memory_space<hbm>>
      %dma_wait3A_26 = tpu.memref_slice %arg3[%mul3A_6] : memref<332800xi32, #tpu.memory_space<hbm>> -> memref<10400xi32, #tpu.memory_space<hbm>>
      tpu.wait_dma2 semaphore(%run_scoped3A : memref<!tpu.dma_semaphore, #tpu.memory_space<semaphore_mem>>) src(%dma_wait3A_26 : memref<10400xi32, #tpu.memory_space<hbm>>) dst(%arg7 : memref<10400xi32, #tpu.memory_space<vmem>>)
      tpu.yield
    }) : () -> ()
    "tpu.region"() ({
      %run_scoped3A = tpu.sem_alloc : memref<!tpu.dma_semaphore, #tpu.memory_space<semaphore_mem>>
      %dma_start3A_24 = tpu.memref_slice %arg4[%mul3A_6] : memref<332800xi32, #tpu.memory_space<hbm>> -> memref<10400xi32, #tpu.memory_space<hbm>>
      %dma_start3A_25 = tpu.memref_slice %arg4[%mul3A_6] : memref<332800xi32, #tpu.memory_space<hbm>> -> memref<10400xi32, #tpu.memory_space<hbm>>
      tpu.enqueue_dma source(%dma_start3A_25 : memref<10400xi32, #tpu.memory_space<hbm>>) target(%arg8 : memref<10400xi32, #tpu.memory_space<vmem>>) target_semaphore(%run_scoped3A : memref<!tpu.dma_semaphore, #tpu.memory_space<semaphore_mem>>)
      %dma_wait3A = tpu.memref_slice %arg4[%mul3A_6] : memref<332800xi32, #tpu.memory_space<hbm>> -> memref<10400xi32, #tpu.memory_space<hbm>>
      %dma_wait3A_26 = tpu.memref_slice %arg4[%mul3A_6] : memref<332800xi32, #tpu.memory_space<hbm>> -> memref<10400xi32, #tpu.memory_space<hbm>>
      tpu.wait_dma2 semaphore(%run_scoped3A : memref<!tpu.dma_semaphore, #tpu.memory_space<semaphore_mem>>) src(%dma_wait3A_26 : memref<10400xi32, #tpu.memory_space<hbm>>) dst(%arg8 : memref<10400xi32, #tpu.memory_space<vmem>>)
      tpu.yield
    }) : () -> ()
    %barrier3A = arith.constant 0 : index
    tpu.barrier barrier_id(%barrier3A)
    %dma_start3A = arith.constant 0 : i32
    %dma_start3A_7 = tpu.memref_slice %arg7[%dma_start3A] : memref<10400xi32, #tpu.memory_space<vmem>> -> memref<104xi32, #tpu.memory_space<vmem>>
    %dma_start3A_8 = arith.constant 0 : i32
    %dma_start3A_9 = arith.constant 0 : i32
    %dma_start3A_10 = tpu.memref_slice %arg2[%dma_start3A_8, %dma_start3A_9] : memref<10240x128xf32, #tpu.memory_space<hbm>> -> memref<10240x128xf32, #tpu.memory_space<hbm>>
    tpu.enqueue_indirect_dma source(%dma_start3A_10 : memref<10240x128xf32, #tpu.memory_space<hbm>>) target(%arg9 : memref<104x128xf32, #tpu.memory_space<vmem>>) offsets(%dma_start3A_7 : memref<104xi32, #tpu.memory_space<vmem>>) semaphore(%arg11 : memref<!tpu.dma_semaphore, #tpu.memory_space<semaphore_mem>>)
    %scan3A = arith.constant 0 : i32
    %scan3A_11 = arith.constant 0 : i32
    %scan3A_12 = arith.constant 50 : i32
    %scan3A_13 = arith.addi %scan3A_11, %scan3A_12 : i32
    %scan3A_14 = arith.constant 1 : i32
    scf.for %scan3A_24 = %scan3A_11 to %scan3A_13 step %scan3A_14  : i32 {
      %mul3A_25 = arith.constant 2 : i32
      %mul3A_26 = arith.muli %mul3A_25, %scan3A_24 : i32
      %add3A_27 = arith.constant 1 : i32
      %add3A_28 = arith.addi %mul3A_26, %add3A_27 : i32
      %mul3A_29 = arith.constant 104 : i32
      %mul3A_30 = arith.muli %add3A_28, %mul3A_29 : i32
      %dma_start3A_31 = tpu.memref_slice %arg7[%mul3A_30] : memref<10400xi32, #tpu.memory_space<vmem>> -> memref<104xi32, #tpu.memory_space<vmem>>
      %dma_start3A_32 = arith.constant 0 : i32
      %dma_start3A_33 = arith.constant 0 : i32
      %dma_start3A_34 = tpu.memref_slice %arg2[%dma_start3A_32, %dma_start3A_33] : memref<10240x128xf32, #tpu.memory_space<hbm>> -> memref<10240x128xf32, #tpu.memory_space<hbm>>
      tpu.enqueue_indirect_dma source(%dma_start3A_34 : memref<10240x128xf32, #tpu.memory_space<hbm>>) target(%arg10 : memref<104x128xf32, #tpu.memory_space<vmem>>) offsets(%dma_start3A_31 : memref<104xi32, #tpu.memory_space<vmem>>) semaphore(%arg12 : memref<!tpu.dma_semaphore, #tpu.memory_space<semaphore_mem>>)
      %dma_wait3A = arith.constant 0 : i32
      %dma_wait3A_35 = tpu.memref_slice %arg7[%dma_wait3A] : memref<10400xi32, #tpu.memory_space<vmem>> -> memref<104xi32, #tpu.memory_space<vmem>>
      %dma_wait3A_36 = arith.constant 0 : i32
      %dma_wait3A_37 = arith.constant 0 : i32
      %dma_wait3A_38 = tpu.memref_slice %arg2[%dma_wait3A_36, %dma_wait3A_37] : memref<10240x128xf32, #tpu.memory_space<hbm>> -> memref<10240x128xf32, #tpu.memory_space<hbm>>
      tpu.wait_indirect_dma semaphore(%arg11 : memref<!tpu.dma_semaphore, #tpu.memory_space<semaphore_mem>>) src(%dma_wait3A_38 : memref<10240x128xf32, #tpu.memory_space<hbm>>) dst(%arg9 : memref<104x128xf32, #tpu.memory_space<vmem>>)
      %mul3A_39 = arith.constant 104 : i32
      %mul3A_40 = arith.muli %mul3A_26, %mul3A_39 : i32
      "tpu.region"() ({
        %run_scoped3A = tpu.sem_alloc : memref<!tpu.dma_semaphore, #tpu.memory_space<semaphore_mem>>
        %dma_start3A_54 = tpu.memref_slice %arg8[%mul3A_40] : memref<10400xi32, #tpu.memory_space<vmem>> -> memref<104xi32, #tpu.memory_space<vmem>>
        %dma_start3A_55 = arith.constant 0 : i32
        %dma_start3A_56 = arith.constant 0 : i32
        %dma_start3A_57 = tpu.memref_slice %arg13[%dma_start3A_55, %dma_start3A_56] : memref<10240x128xf32, #tpu.memory_space<vmem_shared>> -> memref<10240x128xf32, #tpu.memory_space<vmem_shared>>
        tpu.enqueue_indirect_dma source(%arg9 : memref<104x128xf32, #tpu.memory_space<vmem>>) target(%dma_start3A_57 : memref<10240x128xf32, #tpu.memory_space<vmem_shared>>) offsets(%dma_start3A_54 : memref<104xi32, #tpu.memory_space<vmem>>) semaphore(%run_scoped3A : memref<!tpu.dma_semaphore, #tpu.memory_space<semaphore_mem>>) {add = true}
        %dma_wait3A_58 = tpu.memref_slice %arg8[%mul3A_40] : memref<10400xi32, #tpu.memory_space<vmem>> -> memref<104xi32, #tpu.memory_space<vmem>>
        %dma_wait3A_59 = arith.constant 0 : i32
        %dma_wait3A_60 = arith.constant 0 : i32
        %dma_wait3A_61 = tpu.memref_slice %arg13[%dma_wait3A_59, %dma_wait3A_60] : memref<10240x128xf32, #tpu.memory_space<vmem_shared>> -> memref<10240x128xf32, #tpu.memory_space<vmem_shared>>
        tpu.wait_indirect_dma semaphore(%run_scoped3A : memref<!tpu.dma_semaphore, #tpu.memory_space<semaphore_mem>>) src(%arg9 : memref<104x128xf32, #tpu.memory_space<vmem>>) dst(%dma_wait3A_61 : memref<10240x128xf32, #tpu.memory_space<vmem_shared>>)
        tpu.yield
      }) : () -> ()
      %add3A_41 = arith.constant 2 : i32
      %add3A_42 = arith.addi %mul3A_26, %add3A_41 : i32
      %lt3A = arith.constant 100 : i32
      %lt3A_43 = arith.cmpi slt, %add3A_42, %lt3A : i32
      %convert_element_type3A = arith.extui %lt3A_43 : i1 to i32
      %cond3A = arith.constant 0 : i32
      %cond3A_44 = arith.cmpi ne, %convert_element_type3A, %cond3A : i32
      scf.if %cond3A_44 {
        %add3A_54 = arith.constant 2 : i32
        %add3A_55 = arith.addi %mul3A_26, %add3A_54 : i32
        %mul3A_56 = arith.constant 104 : i32
        %mul3A_57 = arith.muli %add3A_55, %mul3A_56 : i32
        %dma_start3A_58 = tpu.memref_slice %arg7[%mul3A_57] : memref<10400xi32, #tpu.memory_space<vmem>> -> memref<104xi32, #tpu.memory_space<vmem>>
        %dma_start3A_59 = arith.constant 0 : i32
        %dma_start3A_60 = arith.constant 0 : i32
        %dma_start3A_61 = tpu.memref_slice %arg2[%dma_start3A_59, %dma_start3A_60] : memref<10240x128xf32, #tpu.memory_space<hbm>> -> memref<10240x128xf32, #tpu.memory_space<hbm>>
        tpu.enqueue_indirect_dma source(%dma_start3A_61 : memref<10240x128xf32, #tpu.memory_space<hbm>>) target(%arg9 : memref<104x128xf32, #tpu.memory_space<vmem>>) offsets(%dma_start3A_58 : memref<104xi32, #tpu.memory_space<vmem>>) semaphore(%arg11 : memref<!tpu.dma_semaphore, #tpu.memory_space<semaphore_mem>>)
      } else {
      }
      %dma_wait3A_45 = arith.constant 0 : i32
      %dma_wait3A_46 = tpu.memref_slice %arg7[%dma_wait3A_45] : memref<10400xi32, #tpu.memory_space<vmem>> -> memref<104xi32, #tpu.memory_space<vmem>>
      %dma_wait3A_47 = arith.constant 0 : i32
      %dma_wait3A_48 = arith.constant 0 : i32
      %dma_wait3A_49 = tpu.memref_slice %arg2[%dma_wait3A_47, %dma_wait3A_48] : memref<10240x128xf32, #tpu.memory_space<hbm>> -> memref<10240x128xf32, #tpu.memory_space<hbm>>
      tpu.wait_indirect_dma semaphore(%arg12 : memref<!tpu.dma_semaphore, #tpu.memory_space<semaphore_mem>>) src(%dma_wait3A_49 : memref<10240x128xf32, #tpu.memory_space<hbm>>) dst(%arg10 : memref<104x128xf32, #tpu.memory_space<vmem>>)
      %add3A_50 = arith.constant 1 : i32
      %add3A_51 = arith.addi %mul3A_26, %add3A_50 : i32
      %mul3A_52 = arith.constant 104 : i32
      %mul3A_53 = arith.muli %add3A_51, %mul3A_52 : i32
      "tpu.region"() ({
        %run_scoped3A = tpu.sem_alloc : memref<!tpu.dma_semaphore, #tpu.memory_space<semaphore_mem>>
        %dma_start3A_54 = tpu.memref_slice %arg8[%mul3A_53] : memref<10400xi32, #tpu.memory_space<vmem>> -> memref<104xi32, #tpu.memory_space<vmem>>
        %dma_start3A_55 = arith.constant 0 : i32
        %dma_start3A_56 = arith.constant 0 : i32
        %dma_start3A_57 = tpu.memref_slice %arg13[%dma_start3A_55, %dma_start3A_56] : memref<10240x128xf32, #tpu.memory_space<vmem_shared>> -> memref<10240x128xf32, #tpu.memory_space<vmem_shared>>
        tpu.enqueue_indirect_dma source(%arg10 : memref<104x128xf32, #tpu.memory_space<vmem>>) target(%dma_start3A_57 : memref<10240x128xf32, #tpu.memory_space<vmem_shared>>) offsets(%dma_start3A_54 : memref<104xi32, #tpu.memory_space<vmem>>) semaphore(%run_scoped3A : memref<!tpu.dma_semaphore, #tpu.memory_space<semaphore_mem>>) {add = true}
        %dma_wait3A_58 = tpu.memref_slice %arg8[%mul3A_53] : memref<10400xi32, #tpu.memory_space<vmem>> -> memref<104xi32, #tpu.memory_space<vmem>>
        %dma_wait3A_59 = arith.constant 0 : i32
        %dma_wait3A_60 = arith.constant 0 : i32
        %dma_wait3A_61 = tpu.memref_slice %arg13[%dma_wait3A_59, %dma_wait3A_60] : memref<10240x128xf32, #tpu.memory_space<vmem_shared>> -> memref<10240x128xf32, #tpu.memory_space<vmem_shared>>
        tpu.wait_indirect_dma semaphore(%run_scoped3A : memref<!tpu.dma_semaphore, #tpu.memory_space<semaphore_mem>>) src(%arg10 : memref<104x128xf32, #tpu.memory_space<vmem>>) dst(%dma_wait3A_61 : memref<10240x128xf32, #tpu.memory_space<vmem_shared>>)
        tpu.yield
      }) : () -> ()
    }
    %scan3A_15 = arith.constant 50 : i32
    %barrier3A_16 = arith.constant 0 : index
    tpu.barrier barrier_id(%barrier3A_16)
    %mul3A_17 = arith.constant 640 : i32
    %mul3A_18 = arith.muli %arg1, %mul3A_17 : i32
    %mul3A_19 = arith.constant 10240 : i32
    %mul3A_20 = arith.muli %arg0, %mul3A_19 : i32
    %mul3A_21 = arith.constant 640 : i32
    %mul3A_22 = arith.muli %arg1, %mul3A_21 : i32
    %add3A_23 = arith.addi %mul3A_20, %mul3A_22 : i32
    "tpu.region"() ({
      %run_scoped3A = tpu.sem_alloc : memref<!tpu.dma_semaphore, #tpu.memory_space<semaphore_mem>>
      %dma_start3A_24 = arith.constant 0 : i32
      %dma_start3A_25 = tpu.memref_slice %arg6[%add3A_23, %dma_start3A_24] : memref<20480x128xf32, #tpu.memory_space<hbm>> -> memref<640x128xf32, #tpu.memory_space<hbm>>
      %dma_start3A_26 = arith.constant 0 : i32
      %dma_start3A_27 = tpu.memref_slice %arg13[%mul3A_18, %dma_start3A_26] : memref<10240x128xf32, #tpu.memory_space<vmem_shared>> -> memref<640x128xf32, #tpu.memory_space<vmem_shared>>
      tpu.enqueue_dma source(%dma_start3A_27 : memref<640x128xf32, #tpu.memory_space<vmem_shared>>) target(%dma_start3A_25 : memref<640x128xf32, #tpu.memory_space<hbm>>) target_semaphore(%run_scoped3A : memref<!tpu.dma_semaphore, #tpu.memory_space<semaphore_mem>>)
      %dma_wait3A = arith.constant 0 : i32
      %dma_wait3A_28 = tpu.memref_slice %arg6[%add3A_23, %dma_wait3A] : memref<20480x128xf32, #tpu.memory_space<hbm>> -> memref<640x128xf32, #tpu.memory_space<hbm>>
      %dma_wait3A_29 = arith.constant 0 : i32
      %dma_wait3A_30 = tpu.memref_slice %arg13[%mul3A_18, %dma_wait3A_29] : memref<10240x128xf32, #tpu.memory_space<vmem_shared>> -> memref<640x128xf32, #tpu.memory_space<vmem_shared>>
      tpu.wait_dma2 semaphore(%run_scoped3A : memref<!tpu.dma_semaphore, #tpu.memory_space<semaphore_mem>>) src(%dma_wait3A_30 : memref<640x128xf32, #tpu.memory_space<vmem_shared>>) dst(%dma_wait3A_28 : memref<640x128xf32, #tpu.memory_space<hbm>>)
      tpu.yield
    }) : () -> ()
    return
  }
}

#map = affine_map<(d0, d1) -> (0)>
#map1 = affine_map<(d0, d1) -> (0, 0)>
module attributes {stable_mosaic.version = 14 : i64} {
  func.func @_deg_body(%arg0: i32, %arg1: i32, %arg2: memref<320000xi32, #tpu.memory_space<hbm>>, %arg3: memref<200x128xf32, #tpu.memory_space<hbm>>, %arg4: memref<10240x128xf32, #tpu.memory_space<hbm>>, %arg5: memref<20480x128xf32, #tpu.memory_space<hbm>>, %arg6: memref<200xi32, #tpu.memory_space<vmem>>, %arg7: memref<200x128xf32, #tpu.memory_space<vmem>>, %arg8: memref<10240x128xf32, #tpu.memory_space<vmem_shared>>) attributes {dimension_semantics = [#tpu.dimension_semantics<core_parallel>, #tpu.dimension_semantics<subcore_parallel>], iteration_bounds = array<i64: 2, 16>, scalar_prefetch = 0 : i64, scratch_operands = 3 : i64, tpu.core_type = #tpu.core_type<sc_vector_subcore>, window_params = [{transform_indices = #map}, {transform_indices = #map1}, {transform_indices = #map1}, {transform_indices = #map1}]} {
    %mul3A = arith.constant 16 : i32
    %mul3A_0 = arith.muli %arg0, %mul3A : i32
    %add3A = arith.addi %mul3A_0, %arg1 : i32
    %mul3A_1 = arith.constant 640 : i32
    %mul3A_2 = arith.muli %arg1, %mul3A_1 : i32
    %mul3A_3 = arith.constant 640 : i32
    %mul3A_4 = arith.muli %arg1, %mul3A_3 : i32
    "tpu.region"() ({
      %run_scoped3A = tpu.sem_alloc : memref<!tpu.dma_semaphore, #tpu.memory_space<semaphore_mem>>
      %dma_start3A = arith.constant 0 : i32
      %dma_start3A_18 = tpu.memref_slice %arg8[%mul3A_4, %dma_start3A] : memref<10240x128xf32, #tpu.memory_space<vmem_shared>> -> memref<640x128xf32, #tpu.memory_space<vmem_shared>>
      %dma_start3A_19 = arith.constant 0 : i32
      %dma_start3A_20 = tpu.memref_slice %arg4[%mul3A_2, %dma_start3A_19] : memref<10240x128xf32, #tpu.memory_space<hbm>> -> memref<640x128xf32, #tpu.memory_space<hbm>>
      tpu.enqueue_dma source(%dma_start3A_20 : memref<640x128xf32, #tpu.memory_space<hbm>>) target(%dma_start3A_18 : memref<640x128xf32, #tpu.memory_space<vmem_shared>>) target_semaphore(%run_scoped3A : memref<!tpu.dma_semaphore, #tpu.memory_space<semaphore_mem>>)
      %dma_wait3A = arith.constant 0 : i32
      %dma_wait3A_21 = tpu.memref_slice %arg8[%mul3A_4, %dma_wait3A] : memref<10240x128xf32, #tpu.memory_space<vmem_shared>> -> memref<640x128xf32, #tpu.memory_space<vmem_shared>>
      %dma_wait3A_22 = arith.constant 0 : i32
      %dma_wait3A_23 = tpu.memref_slice %arg4[%mul3A_2, %dma_wait3A_22] : memref<10240x128xf32, #tpu.memory_space<hbm>> -> memref<640x128xf32, #tpu.memory_space<hbm>>
      tpu.wait_dma2 semaphore(%run_scoped3A : memref<!tpu.dma_semaphore, #tpu.memory_space<semaphore_mem>>) src(%dma_wait3A_23 : memref<640x128xf32, #tpu.memory_space<hbm>>) dst(%dma_wait3A_21 : memref<640x128xf32, #tpu.memory_space<vmem_shared>>)
      tpu.yield
    }) : () -> ()
    "tpu.region"() ({
      %run_scoped3A = tpu.sem_alloc : memref<!tpu.dma_semaphore, #tpu.memory_space<semaphore_mem>>
      tpu.enqueue_dma source(%arg3 : memref<200x128xf32, #tpu.memory_space<hbm>>) target(%arg7 : memref<200x128xf32, #tpu.memory_space<vmem>>) target_semaphore(%run_scoped3A : memref<!tpu.dma_semaphore, #tpu.memory_space<semaphore_mem>>)
      tpu.wait_dma2 semaphore(%run_scoped3A : memref<!tpu.dma_semaphore, #tpu.memory_space<semaphore_mem>>) src(%arg3 : memref<200x128xf32, #tpu.memory_space<hbm>>) dst(%arg7 : memref<200x128xf32, #tpu.memory_space<vmem>>)
      tpu.yield
    }) : () -> ()
    %barrier3A = arith.constant 0 : index
    tpu.barrier barrier_id(%barrier3A)
    %scan3A = arith.constant 0 : i32
    %scan3A_5 = arith.constant 0 : i32
    %scan3A_6 = arith.constant 50 : i32
    %scan3A_7 = arith.addi %scan3A_5, %scan3A_6 : i32
    %scan3A_8 = arith.constant 1 : i32
    scf.for %scan3A_18 = %scan3A_5 to %scan3A_7 step %scan3A_8  : i32 {
      %mul3A_19 = arith.constant 10000 : i32
      %mul3A_20 = arith.muli %add3A, %mul3A_19 : i32
      %mul3A_21 = arith.constant 200 : i32
      %mul3A_22 = arith.muli %scan3A_18, %mul3A_21 : i32
      %add3A_23 = arith.addi %mul3A_20, %mul3A_22 : i32
      "tpu.region"() ({
        %run_scoped3A = tpu.sem_alloc : memref<!tpu.dma_semaphore, #tpu.memory_space<semaphore_mem>>
        %dma_start3A = tpu.memref_slice %arg2[%add3A_23] : memref<320000xi32, #tpu.memory_space<hbm>> -> memref<200xi32, #tpu.memory_space<hbm>>
        %dma_start3A_24 = tpu.memref_slice %arg2[%add3A_23] : memref<320000xi32, #tpu.memory_space<hbm>> -> memref<200xi32, #tpu.memory_space<hbm>>
        tpu.enqueue_dma source(%dma_start3A_24 : memref<200xi32, #tpu.memory_space<hbm>>) target(%arg6 : memref<200xi32, #tpu.memory_space<vmem>>) target_semaphore(%run_scoped3A : memref<!tpu.dma_semaphore, #tpu.memory_space<semaphore_mem>>)
        %dma_wait3A = tpu.memref_slice %arg2[%add3A_23] : memref<320000xi32, #tpu.memory_space<hbm>> -> memref<200xi32, #tpu.memory_space<hbm>>
        %dma_wait3A_25 = tpu.memref_slice %arg2[%add3A_23] : memref<320000xi32, #tpu.memory_space<hbm>> -> memref<200xi32, #tpu.memory_space<hbm>>
        tpu.wait_dma2 semaphore(%run_scoped3A : memref<!tpu.dma_semaphore, #tpu.memory_space<semaphore_mem>>) src(%dma_wait3A_25 : memref<200xi32, #tpu.memory_space<hbm>>) dst(%arg6 : memref<200xi32, #tpu.memory_space<vmem>>)
        tpu.yield
      }) : () -> ()
      "tpu.region"() ({
        %run_scoped3A = tpu.sem_alloc : memref<!tpu.dma_semaphore, #tpu.memory_space<semaphore_mem>>
        %dma_start3A = arith.constant 0 : i32
        %dma_start3A_24 = arith.constant 0 : i32
        %dma_start3A_25 = tpu.memref_slice %arg8[%dma_start3A, %dma_start3A_24] : memref<10240x128xf32, #tpu.memory_space<vmem_shared>> -> memref<10240x128xf32, #tpu.memory_space<vmem_shared>>
        tpu.enqueue_indirect_dma source(%arg7 : memref<200x128xf32, #tpu.memory_space<vmem>>) target(%dma_start3A_25 : memref<10240x128xf32, #tpu.memory_space<vmem_shared>>) offsets(%arg6 : memref<200xi32, #tpu.memory_space<vmem>>) semaphore(%run_scoped3A : memref<!tpu.dma_semaphore, #tpu.memory_space<semaphore_mem>>) {add = true}
        %dma_wait3A = arith.constant 0 : i32
        %dma_wait3A_26 = arith.constant 0 : i32
        %dma_wait3A_27 = tpu.memref_slice %arg8[%dma_wait3A, %dma_wait3A_26] : memref<10240x128xf32, #tpu.memory_space<vmem_shared>> -> memref<10240x128xf32, #tpu.memory_space<vmem_shared>>
        tpu.wait_indirect_dma semaphore(%run_scoped3A : memref<!tpu.dma_semaphore, #tpu.memory_space<semaphore_mem>>) src(%arg7 : memref<200x128xf32, #tpu.memory_space<vmem>>) dst(%dma_wait3A_27 : memref<10240x128xf32, #tpu.memory_space<vmem_shared>>)
        tpu.yield
      }) : () -> ()
    }
    %scan3A_9 = arith.constant 50 : i32
    %barrier3A_10 = arith.constant 0 : index
    tpu.barrier barrier_id(%barrier3A_10)
    %mul3A_11 = arith.constant 640 : i32
    %mul3A_12 = arith.muli %arg1, %mul3A_11 : i32
    %mul3A_13 = arith.constant 10240 : i32
    %mul3A_14 = arith.muli %arg0, %mul3A_13 : i32
    %mul3A_15 = arith.constant 640 : i32
    %mul3A_16 = arith.muli %arg1, %mul3A_15 : i32
    %add3A_17 = arith.addi %mul3A_14, %mul3A_16 : i32
    "tpu.region"() ({
      %run_scoped3A = tpu.sem_alloc : memref<!tpu.dma_semaphore, #tpu.memory_space<semaphore_mem>>
      %dma_start3A = arith.constant 0 : i32
      %dma_start3A_18 = tpu.memref_slice %arg5[%add3A_17, %dma_start3A] : memref<20480x128xf32, #tpu.memory_space<hbm>> -> memref<640x128xf32, #tpu.memory_space<hbm>>
      %dma_start3A_19 = arith.constant 0 : i32
      %dma_start3A_20 = tpu.memref_slice %arg8[%mul3A_12, %dma_start3A_19] : memref<10240x128xf32, #tpu.memory_space<vmem_shared>> -> memref<640x128xf32, #tpu.memory_space<vmem_shared>>
      tpu.enqueue_dma source(%dma_start3A_20 : memref<640x128xf32, #tpu.memory_space<vmem_shared>>) target(%dma_start3A_18 : memref<640x128xf32, #tpu.memory_space<hbm>>) target_semaphore(%run_scoped3A : memref<!tpu.dma_semaphore, #tpu.memory_space<semaphore_mem>>)
      %dma_wait3A = arith.constant 0 : i32
      %dma_wait3A_21 = tpu.memref_slice %arg5[%add3A_17, %dma_wait3A] : memref<20480x128xf32, #tpu.memory_space<hbm>> -> memref<640x128xf32, #tpu.memory_space<hbm>>
      %dma_wait3A_22 = arith.constant 0 : i32
      %dma_wait3A_23 = tpu.memref_slice %arg8[%mul3A_12, %dma_wait3A_22] : memref<10240x128xf32, #tpu.memory_space<vmem_shared>> -> memref<640x128xf32, #tpu.memory_space<vmem_shared>>
      tpu.wait_dma2 semaphore(%run_scoped3A : memref<!tpu.dma_semaphore, #tpu.memory_space<semaphore_mem>>) src(%dma_wait3A_23 : memref<640x128xf32, #tpu.memory_space<vmem_shared>>) dst(%dma_wait3A_21 : memref<640x128xf32, #tpu.memory_space<hbm>>)
      tpu.yield
    }) : () -> ()
    return
  }
}

module attributes {stable_mosaic.version = 14 : i64} {
  func.func @_scale_body(%arg0: i32, %arg1: memref<1024x128xf32, #tpu.memory_space<vmem>>, %arg2: memref<1024x128xf32, #tpu.memory_space<vmem>>, %arg3: memref<1024x128xf32, #tpu.memory_space<vmem>>, %arg4: memref<128x128xf32, #tpu.memory_space<vmem>>, %arg5: memref<1024x128xf32, #tpu.memory_space<vmem>>, %arg6: memref<1024x128xf32, #tpu.memory_space<vmem>>) attributes {dimension_semantics = [#tpu.dimension_semantics<arbitrary>], iteration_bounds = array<i64: 10>, scalar_prefetch = 0 : i64, scratch_operands = 0 : i64, tpu.core_type = #tpu.core_type<tc>, window_params = [{transform_indices = @transform_0, window_bounds = array<i64: 1024, 128>}, {transform_indices = @transform_1, window_bounds = array<i64: 1024, 128>}, {transform_indices = @transform_2, window_bounds = array<i64: 1024, 128>}, {pipeline_mode = #tpu.pipeline_mode<synchronous>, transform_indices = @transform_3, window_bounds = array<i64: 128, 128>}, {transform_indices = @transform_4, window_bounds = array<i64: 1024, 128>}, {transform_indices = @transform_5, window_bounds = array<i64: 1024, 128>}]} {
    %get3A = arith.constant 0 : index
    %get3A_0 = arith.constant 0 : index
    %get3A_1 = vector.load %arg1[%get3A, %get3A_0] : memref<1024x128xf32, #tpu.memory_space<vmem>>, vector<1024x128xf32>
    %get3A_2 = arith.constant 0 : index
    %get3A_3 = arith.constant 0 : index
    %get3A_4 = vector.load %arg2[%get3A_2, %get3A_3] : memref<1024x128xf32, #tpu.memory_space<vmem>>, vector<1024x128xf32>
    %add3A = arith.addf %get3A_1, %get3A_4 : vector<1024x128xf32>
    %add3A_5 = arith.constant 1.000000e+00 : f32
    %add3A_6 = vector.broadcast %add3A_5 : f32 to vector<1024x128xf32>
    %add3A_7 = arith.addf %add3A, %add3A_6 : vector<1024x128xf32>
    %rsqrt3A = math.rsqrt %add3A_7 : vector<1024x128xf32>
    %get3A_8 = arith.constant 0 : index
    %get3A_9 = arith.constant 0 : index
    %get3A_10 = vector.load %arg3[%get3A_8, %get3A_9] : memref<1024x128xf32, #tpu.memory_space<vmem>>, vector<1024x128xf32>
    %get3A_11 = arith.constant 0 : index
    %get3A_12 = arith.constant 0 : index
    %get3A_13 = vector.load %arg4[%get3A_11, %get3A_12] : memref<128x128xf32, #tpu.memory_space<vmem>>, vector<128x128xf32>
    %dot_general3A = arith.constant dense<0.000000e+00> : vector<1024x128xf32>
    %dot_general3A_14 = tpu.matmul %get3A_10, %get3A_13, %dot_general3A {dimension_numbers = #tpu.dot_dimension_numbers<[1], [0], [0], [1], [0, 0, 1, 1], [], []>, transpose_lhs_hint = false} : vector<1024x128xf32>, vector<128x128xf32>, vector<1024x128xf32> -> vector<1024x128xf32>
    %mul3A = arith.mulf %dot_general3A_14, %rsqrt3A : vector<1024x128xf32>
    %swap3A = arith.constant 0 : index
    %swap3A_15 = arith.constant 0 : index
    %swap3A_16 = vector.load %arg5[%swap3A, %swap3A_15] : memref<1024x128xf32, #tpu.memory_space<vmem>>, vector<1024x128xf32>
    tpu.vector_store %arg5[%swap3A, %swap3A_15], %mul3A {strides = array<i32>} : memref<1024x128xf32, #tpu.memory_space<vmem>>, vector<1024x128xf32>,
    %swap3A_17 = arith.constant 0 : index
    %swap3A_18 = arith.constant 0 : index
    %swap3A_19 = vector.load %arg6[%swap3A_17, %swap3A_18] : memref<1024x128xf32, #tpu.memory_space<vmem>>, vector<1024x128xf32>
    tpu.vector_store %arg6[%swap3A_17, %swap3A_18], %rsqrt3A {strides = array<i32>} : memref<1024x128xf32, #tpu.memory_space<vmem>>, vector<1024x128xf32>,
    return
  }
  func.func @transform_0(%arg0: i32) -> (i32, i32) {
    %c0_i32 = arith.constant 0 : i32
    %c0_i32_0 = arith.constant 0 : i32
    return %arg0, %c0_i32 : i32, i32
  }
  func.func @transform_1(%arg0: i32) -> (i32, i32) {
    %c0_i32 = arith.constant 0 : i32
    %c0_i32_0 = arith.constant 0 : i32
    return %arg0, %c0_i32 : i32, i32
  }
  func.func @transform_2(%arg0: i32) -> (i32, i32) {
    %c0_i32 = arith.constant 0 : i32
    %c0_i32_0 = arith.constant 0 : i32
    return %arg0, %c0_i32 : i32, i32
  }
  func.func @transform_3(%arg0: i32) -> (i32, i32) {
    %c0_i32 = arith.constant 0 : i32
    %c0_i32_0 = arith.constant 0 : i32
    %c0_i32_1 = arith.constant 0 : i32
    return %c0_i32, %c0_i32_0 : i32, i32
  }
  func.func @transform_4(%arg0: i32) -> (i32, i32) {
    %c0_i32 = arith.constant 0 : i32
    %c0_i32_0 = arith.constant 0 : i32
    return %arg0, %c0_i32 : i32, i32
  }
  func.func @transform_5(%arg0: i32) -> (i32, i32) {
    %c0_i32 = arith.constant 0 : i32
    %c0_i32_0 = arith.constant 0 : i32
    return %arg0, %c0_i32 : i32, i32
  }
}

module attributes {stable_mosaic.version = 14 : i64} {
  func.func @_mix_body(%arg0: i32, %arg1: memref<1024x128xf32, #tpu.memory_space<vmem>>, %arg2: memref<1024x128xf32, #tpu.memory_space<vmem>>, %arg3: memref<1024x128xf32, #tpu.memory_space<vmem>>, %arg4: memref<1024x128xf32, #tpu.memory_space<vmem>>, %arg5: memref<1x128xf32, #tpu.memory_space<vmem>>, %arg6: memref<128x128xf32, #tpu.memory_space<vmem>>, %arg7: memref<1024x128xf32, #tpu.memory_space<vmem>>) attributes {dimension_semantics = [#tpu.dimension_semantics<arbitrary>], iteration_bounds = array<i64: 10>, scalar_prefetch = 0 : i64, scratch_operands = 0 : i64, tpu.core_type = #tpu.core_type<tc>, window_params = [{transform_indices = @transform_0, window_bounds = array<i64: 1024, 128>}, {transform_indices = @transform_1, window_bounds = array<i64: 1024, 128>}, {transform_indices = @transform_2, window_bounds = array<i64: 1024, 128>}, {transform_indices = @transform_3, window_bounds = array<i64: 1024, 128>}, {pipeline_mode = #tpu.pipeline_mode<synchronous>, transform_indices = @transform_4, window_bounds = array<i64: 1, 128>}, {pipeline_mode = #tpu.pipeline_mode<synchronous>, transform_indices = @transform_5, window_bounds = array<i64: 128, 128>}, {transform_indices = @transform_6, window_bounds = array<i64: 1024, 128>}]} {
    %get3A = arith.constant 0 : index
    %get3A_0 = arith.constant 0 : index
    %get3A_1 = vector.load %arg4[%get3A, %get3A_0] : memref<1024x128xf32, #tpu.memory_space<vmem>>, vector<1024x128xf32>
    %get3A_2 = arith.constant 0 : index
    %get3A_3 = arith.constant 0 : index
    %get3A_4 = vector.load %arg1[%get3A_2, %get3A_3] : memref<1024x128xf32, #tpu.memory_space<vmem>>, vector<1024x128xf32>
    %get3A_5 = arith.constant 0 : index
    %get3A_6 = arith.constant 0 : index
    %get3A_7 = vector.load %arg2[%get3A_5, %get3A_6] : memref<1024x128xf32, #tpu.memory_space<vmem>>, vector<1024x128xf32>
    %add3A = arith.addf %get3A_4, %get3A_7 : vector<1024x128xf32>
    %get3A_8 = arith.constant 0 : index
    %get3A_9 = arith.constant 0 : index
    %get3A_10 = vector.load %arg3[%get3A_8, %get3A_9] : memref<1024x128xf32, #tpu.memory_space<vmem>>, vector<1024x128xf32>
    %add3A_11 = arith.addf %add3A, %get3A_10 : vector<1024x128xf32>
    %mul3A = arith.mulf %get3A_1, %add3A_11 : vector<1024x128xf32>
    %get3A_12 = arith.constant 0 : index
    %get3A_13 = arith.constant 0 : index
    %get3A_14 = vector.load %arg5[%get3A_12, %get3A_13] : memref<1x128xf32, #tpu.memory_space<vmem>>, vector<1x128xf32>
    %add3A_15 = vector.broadcast %get3A_14 : vector<1x128xf32> to vector<1024x128xf32>
    %add3A_16 = arith.addf %mul3A, %add3A_15 : vector<1024x128xf32>
    %max3A = arith.constant 0.000000e+00 : f32
    %max3A_17 = vector.broadcast %max3A : f32 to vector<1024x128xf32>
    %max3A_18 = arith.maximumf %add3A_16, %max3A_17 : vector<1024x128xf32>
    %get3A_19 = arith.constant 0 : index
    %get3A_20 = arith.constant 0 : index
    %get3A_21 = vector.load %arg6[%get3A_19, %get3A_20] : memref<128x128xf32, #tpu.memory_space<vmem>>, vector<128x128xf32>
    %dot_general3A = arith.constant dense<0.000000e+00> : vector<1024x128xf32>
    %dot_general3A_22 = tpu.matmul %max3A_18, %get3A_21, %dot_general3A {dimension_numbers = #tpu.dot_dimension_numbers<[1], [0], [0], [1], [0, 0, 1, 1], [], []>, transpose_lhs_hint = false} : vector<1024x128xf32>, vector<128x128xf32>, vector<1024x128xf32> -> vector<1024x128xf32>
    %get3A_23 = arith.constant 0 : index
    %get3A_24 = arith.constant 0 : index
    %get3A_25 = vector.load %arg4[%get3A_23, %get3A_24] : memref<1024x128xf32, #tpu.memory_space<vmem>>, vector<1024x128xf32>
    %mul3A_26 = arith.mulf %dot_general3A_22, %get3A_25 : vector<1024x128xf32>
    %mul3A_27 = arith.constant 1024 : i32
    %mul3A_28 = arith.muli %arg0, %mul3A_27 : i32
    %iota3A = tpu.iota {dimensions = array<i32: 0>} : vector<1024x128xi32>
    %add3A_29 = vector.broadcast %mul3A_28 : i32 to vector<1024x128xi32>
    %add3A_30 = arith.addi %add3A_29, %iota3A : vector<1024x128xi32>
    %lt3A = arith.constant 10000 : i32
    %lt3A_31 = vector.broadcast %lt3A : i32 to vector<1024x128xi32>
    %lt3A_32 = arith.cmpi slt, %add3A_30, %lt3A_31 : vector<1024x128xi32>
    %jit3A = arith.constant 0.000000e+00 : f32
    %broadcast_in_dim3A = vector.broadcast %jit3A : f32 to vector<1024x128xf32>
    %select_n3A = arith.select %lt3A_32, %mul3A_26, %broadcast_in_dim3A : vector<1024x128xi1>, vector<1024x128xf32>
    %swap3A = arith.constant 0 : index
    %swap3A_33 = arith.constant 0 : index
    %swap3A_34 = vector.load %arg7[%swap3A, %swap3A_33] : memref<1024x128xf32, #tpu.memory_space<vmem>>, vector<1024x128xf32>
    tpu.vector_store %arg7[%swap3A, %swap3A_33], %select_n3A {strides = array<i32>} : memref<1024x128xf32, #tpu.memory_space<vmem>>, vector<1024x128xf32>,
    return
  }
  func.func @transform_0(%arg0: i32) -> (i32, i32) {
    %c0_i32 = arith.constant 0 : i32
    %c0_i32_0 = arith.constant 0 : i32
    return %arg0, %c0_i32 : i32, i32
  }
  func.func @transform_1(%arg0: i32) -> (i32, i32) {
    %c0_i32 = arith.constant 0 : i32
    %c0_i32_0 = arith.constant 0 : i32
    return %arg0, %c0_i32 : i32, i32
  }
  func.func @transform_2(%arg0: i32) -> (i32, i32) {
    %c0_i32 = arith.constant 0 : i32
    %c0_i32_0 = arith.constant 0 : i32
    return %arg0, %c0_i32 : i32, i32
  }
  func.func @transform_3(%arg0: i32) -> (i32, i32) {
    %c0_i32 = arith.constant 0 : i32
    %c0_i32_0 = arith.constant 0 : i32
    return %arg0, %c0_i32 : i32, i32
  }
  func.func @transform_4(%arg0: i32) -> (i32, i32) {
    %c0_i32 = arith.constant 0 : i32
    %c0_i32_0 = arith.constant 0 : i32
    %c0_i32_1 = arith.constant 0 : i32
    return %c0_i32, %c0_i32_0 : i32, i32
  }
  func.func @transform_5(%arg0: i32) -> (i32, i32) {
    %c0_i32 = arith.constant 0 : i32
    %c0_i32_0 = arith.constant 0 : i32
    %c0_i32_1 = arith.constant 0 : i32
    return %c0_i32, %c0_i32_0 : i32, i32
  }
  func.func @transform_6(%arg0: i32) -> (i32, i32) {
    %c0_i32 = arith.constant 0 : i32
    %c0_i32_0 = arith.constant 0 : i32
    return %arg0, %c0_i32 : i32, i32
  }
}

module attributes {stable_mosaic.version = 14 : i64} {
  func.func @_final_body(%arg0: i32, %arg1: memref<1024x128xf32, #tpu.memory_space<vmem>>, %arg2: memref<1024x128xf32, #tpu.memory_space<vmem>>, %arg3: memref<1024x128xf32, #tpu.memory_space<vmem>>, %arg4: memref<1024x128xf32, #tpu.memory_space<vmem>>, %arg5: memref<1x128xf32, #tpu.memory_space<vmem>>, %arg6: memref<1024x128xf32, #tpu.memory_space<vmem>>) attributes {dimension_semantics = [#tpu.dimension_semantics<arbitrary>], iteration_bounds = array<i64: 10>, scalar_prefetch = 0 : i64, scratch_operands = 0 : i64, tpu.core_type = #tpu.core_type<tc>, window_params = [{transform_indices = @transform_0, window_bounds = array<i64: 1024, 128>}, {transform_indices = @transform_1, window_bounds = array<i64: 1024, 128>}, {transform_indices = @transform_2, window_bounds = array<i64: 1024, 128>}, {transform_indices = @transform_3, window_bounds = array<i64: 1024, 128>}, {pipeline_mode = #tpu.pipeline_mode<synchronous>, transform_indices = @transform_4, window_bounds = array<i64: 1, 128>}, {transform_indices = @transform_5, window_bounds = array<i64: 1024, 128>}]} {
    %get3A = arith.constant 0 : index
    %get3A_0 = arith.constant 0 : index
    %get3A_1 = vector.load %arg4[%get3A, %get3A_0] : memref<1024x128xf32, #tpu.memory_space<vmem>>, vector<1024x128xf32>
    %get3A_2 = arith.constant 0 : index
    %get3A_3 = arith.constant 0 : index
    %get3A_4 = vector.load %arg1[%get3A_2, %get3A_3] : memref<1024x128xf32, #tpu.memory_space<vmem>>, vector<1024x128xf32>
    %get3A_5 = arith.constant 0 : index
    %get3A_6 = arith.constant 0 : index
    %get3A_7 = vector.load %arg2[%get3A_5, %get3A_6] : memref<1024x128xf32, #tpu.memory_space<vmem>>, vector<1024x128xf32>
    %add3A = arith.addf %get3A_4, %get3A_7 : vector<1024x128xf32>
    %get3A_8 = arith.constant 0 : index
    %get3A_9 = arith.constant 0 : index
    %get3A_10 = vector.load %arg3[%get3A_8, %get3A_9] : memref<1024x128xf32, #tpu.memory_space<vmem>>, vector<1024x128xf32>
    %add3A_11 = arith.addf %add3A, %get3A_10 : vector<1024x128xf32>
    %mul3A = arith.mulf %get3A_1, %add3A_11 : vector<1024x128xf32>
    %get3A_12 = arith.constant 0 : index
    %get3A_13 = arith.constant 0 : index
    %get3A_14 = vector.load %arg5[%get3A_12, %get3A_13] : memref<1x128xf32, #tpu.memory_space<vmem>>, vector<1x128xf32>
    %add3A_15 = vector.broadcast %get3A_14 : vector<1x128xf32> to vector<1024x128xf32>
    %add3A_16 = arith.addf %mul3A, %add3A_15 : vector<1024x128xf32>
    %max3A = arith.constant 0.000000e+00 : f32
    %max3A_17 = vector.broadcast %max3A : f32 to vector<1024x128xf32>
    %max3A_18 = arith.maximumf %add3A_16, %max3A_17 : vector<1024x128xf32>
    %swap3A = arith.constant 0 : index
    %swap3A_19 = arith.constant 0 : index
    %swap3A_20 = vector.load %arg6[%swap3A, %swap3A_19] : memref<1024x128xf32, #tpu.memory_space<vmem>>, vector<1024x128xf32>
    tpu.vector_store %arg6[%swap3A, %swap3A_19], %max3A_18 {strides = array<i32>} : memref<1024x128xf32, #tpu.memory_space<vmem>>, vector<1024x128xf32>,
    return
  }
  func.func @transform_0(%arg0: i32) -> (i32, i32) {
    %c0_i32 = arith.constant 0 : i32
    %c0_i32_0 = arith.constant 0 : i32
    return %arg0, %c0_i32 : i32, i32
  }
  func.func @transform_1(%arg0: i32) -> (i32, i32) {
    %c0_i32 = arith.constant 0 : i32
    %c0_i32_0 = arith.constant 0 : i32
    return %arg0, %c0_i32 : i32, i32
  }
  func.func @transform_2(%arg0: i32) -> (i32, i32) {
    %c0_i32 = arith.constant 0 : i32
    %c0_i32_0 = arith.constant 0 : i32
    return %arg0, %c0_i32 : i32, i32
  }
  func.func @transform_3(%arg0: i32) -> (i32, i32) {
    %c0_i32 = arith.constant 0 : i32
    %c0_i32_0 = arith.constant 0 : i32
    return %arg0, %c0_i32 : i32, i32
  }
  func.func @transform_4(%arg0: i32) -> (i32, i32) {
    %c0_i32 = arith.constant 0 : i32
    %c0_i32_0 = arith.constant 0 : i32
    %c0_i32_1 = arith.constant 0 : i32
    return %c0_i32, %c0_i32_0 : i32, i32
  }
  func.func @transform_5(%arg0: i32) -> (i32, i32) {
    %c0_i32 = arith.constant 0 : i32
    %c0_i32_0 = arith.constant 0 : i32
    return %arg0, %c0_i32 : i32, i32
  }
}

module attributes {stable_mosaic.version = 14 : i64} {
  func.func @_head_body(%arg0: memref<1024x128xf32, #tpu.memory_space<vmem>>, %arg1: memref<128x16xf32, #tpu.memory_space<vmem>>, %arg2: memref<1x16xf32, #tpu.memory_space<vmem>>, %arg3: memref<1024x16xi32, #tpu.memory_space<vmem>>, %arg4: memref<1024x16xf32, #tpu.memory_space<vmem>>, %arg5: memref<1x128xf32, #tpu.memory_space<vmem>>, %arg6: memref<1x1xf32, #tpu.memory_space<vmem>>, %arg7: memref<1024x16xf32, #tpu.memory_space<vmem>>, %arg8: memref<1024x1xi32, #tpu.memory_space<vmem>>, %arg9: memref<1024x1xf32, #tpu.memory_space<vmem>>, %arg10: memref<1024x1xf32, #tpu.memory_space<vmem>>) attributes {dimension_semantics = [], scalar_prefetch = 0 : i64, scratch_operands = 0 : i64, tpu.core_type = #tpu.core_type<tc>} {
    %get3A = arith.constant 0 : index
    %get3A_0 = arith.constant 0 : index
    %get3A_1 = vector.load %arg0[%get3A, %get3A_0] : memref<1024x128xf32, #tpu.memory_space<vmem>>, vector<1024x128xf32>
    %get3A_2 = arith.constant 0 : index
    %get3A_3 = arith.constant 0 : index
    %get3A_4 = vector.load %arg1[%get3A_2, %get3A_3] : memref<128x16xf32, #tpu.memory_space<vmem>>, vector<128x16xf32>
    %dot_general3A = arith.constant dense<0.000000e+00> : vector<1024x16xf32>
    %dot_general3A_5 = tpu.matmul %get3A_1, %get3A_4, %dot_general3A {dimension_numbers = #tpu.dot_dimension_numbers<[1], [0], [0], [1], [0, 0, 1, 1], [], []>, transpose_lhs_hint = false} : vector<1024x128xf32>, vector<128x16xf32>, vector<1024x16xf32> -> vector<1024x16xf32>
    %get3A_6 = arith.constant 0 : index
    %get3A_7 = arith.constant 0 : index
    %get3A_8 = vector.load %arg2[%get3A_6, %get3A_7] : memref<1x16xf32, #tpu.memory_space<vmem>>, vector<1x16xf32>
    %add3A = vector.broadcast %get3A_8 : vector<1x16xf32> to vector<1024x16xf32>
    %add3A_9 = arith.addf %dot_general3A_5, %add3A : vector<1024x16xf32>
    %get3A_10 = arith.constant 0 : index
    %get3A_11 = arith.constant 0 : index
    %get3A_12 = vector.load %arg3[%get3A_10, %get3A_11] : memref<1024x16xi32, #tpu.memory_space<vmem>>, vector<1024x16xi32>
    %ne3A = arith.constant 0 : i32
    %ne3A_13 = vector.broadcast %ne3A : i32 to vector<1024x16xi32>
    %ne3A_14 = arith.cmpi ne, %get3A_12, %ne3A_13 : vector<1024x16xi32>
    %jit3A = arith.constant -1.000000e+06 : f32
    %broadcast_in_dim3A = vector.broadcast %jit3A : f32 to vector<1024x16xf32>
    %select_n3A = arith.select %ne3A_14, %add3A_9, %broadcast_in_dim3A : vector<1024x16xi1>, vector<1024x16xf32>
    %reduce_max3A = arith.constant dense<0xFF800000> : vector<1024xf32>
    %reduce_max3A_15 = vector.multi_reduction <maximumf>, %select_n3A, %reduce_max3A [1] : vector<1024x16xf32> to vector<1024xf32>
    %broadcast_in_dim3A_16 = vector.shape_cast %reduce_max3A_15 : vector<1024xf32> to vector<1024x1xf32>
    %sub3A = vector.broadcast %broadcast_in_dim3A_16 : vector<1024x1xf32> to vector<1024x16xf32>
    %sub3A_17 = arith.subf %select_n3A, %sub3A : vector<1024x16xf32>
    %exp3A = math.exp %sub3A_17 : vector<1024x16xf32>
    %reduce_sum3A = arith.constant dense<0.000000e+00> : vector<1024xf32>
    %reduce_sum3A_18 = vector.multi_reduction <add>, %exp3A, %reduce_sum3A [1] : vector<1024x16xf32> to vector<1024xf32>
    %broadcast_in_dim3A_19 = vector.shape_cast %reduce_sum3A_18 : vector<1024xf32> to vector<1024x1xf32>
    %log3A = math.log %broadcast_in_dim3A_19 : vector<1024x1xf32>
    %add3A_20 = arith.addf %log3A, %broadcast_in_dim3A_16 : vector<1024x1xf32>
    %sub3A_21 = vector.broadcast %add3A_20 : vector<1024x1xf32> to vector<1024x16xf32>
    %sub3A_22 = arith.subf %select_n3A, %sub3A_21 : vector<1024x16xf32>
    %swap3A = arith.constant 0 : index
    %swap3A_23 = arith.constant 0 : index
    %swap3A_24 = vector.load %arg7[%swap3A, %swap3A_23] : memref<1024x16xf32, #tpu.memory_space<vmem>>, vector<1024x16xf32>
    tpu.vector_store %arg7[%swap3A, %swap3A_23], %sub3A_22 {strides = array<i32>} : memref<1024x16xf32, #tpu.memory_space<vmem>>, vector<1024x16xf32>,
    %get3A_25 = arith.constant 0 : index
    %get3A_26 = arith.constant 0 : index
    %get3A_27 = vector.load %arg4[%get3A_25, %get3A_26] : memref<1024x16xf32, #tpu.memory_space<vmem>>, vector<1024x16xf32>
    %add3A_28 = arith.addf %select_n3A, %get3A_27 : vector<1024x16xf32>
    %reduce_max3A_29 = arith.constant dense<0xFF800000> : vector<1024xf32>
    %reduce_max3A_30 = vector.multi_reduction <maximumf>, %add3A_28, %reduce_max3A_29 [1] : vector<1024x16xf32> to vector<1024xf32>
    %broadcast_in_dim3A_31 = vector.shape_cast %reduce_max3A_30 : vector<1024xf32> to vector<1024x1xf32>
    %iota3A = tpu.iota {dimensions = array<i32: 1>} : vector<1024x16xi32>
    %ge3A = vector.broadcast %broadcast_in_dim3A_31 : vector<1024x1xf32> to vector<1024x16xf32>
    %ge3A_32 = arith.cmpf oge, %add3A_28, %ge3A : vector<1024x16xf32>
    %jit3A_33 = arith.constant 16 : i32
    %broadcast_in_dim3A_34 = vector.broadcast %jit3A_33 : i32 to vector<1024x16xi32>
    %select_n3A_35 = arith.select %ge3A_32, %iota3A, %broadcast_in_dim3A_34 : vector<1024x16xi1>, vector<1024x16xi32>
    %reduce_min3A = arith.constant dense<2147483647> : vector<1024xi32>
    %reduce_min3A_36 = vector.multi_reduction <minsi>, %select_n3A_35, %reduce_min3A [1] : vector<1024x16xi32> to vector<1024xi32>
    %broadcast_in_dim3A_37 = vector.shape_cast %reduce_min3A_36 : vector<1024xi32> to vector<1024x1xi32>
    %swap3A_38 = arith.constant 0 : index
    %swap3A_39 = arith.constant 0 : index
    %swap3A_40 = vector.load %arg8[%swap3A_38, %swap3A_39] : memref<1024x1xi32, #tpu.memory_space<vmem>>, vector<1024x1xi32>
    tpu.vector_store %arg8[%swap3A_38, %swap3A_39], %broadcast_in_dim3A_37 {strides = array<i32>} : memref<1024x1xi32, #tpu.memory_space<vmem>>, vector<1024x1xi32>,
    %eq3A = vector.broadcast %broadcast_in_dim3A_37 : vector<1024x1xi32> to vector<1024x16xi32>
    %eq3A_41 = arith.cmpi eq, %iota3A, %eq3A : vector<1024x16xi32>
    %jit3A_42 = arith.constant 0.000000e+00 : f32
    %broadcast_in_dim3A_43 = vector.broadcast %jit3A_42 : f32 to vector<1024x16xf32>
    %select_n3A_44 = arith.select %eq3A_41, %sub3A_22, %broadcast_in_dim3A_43 : vector<1024x16xi1>, vector<1024x16xf32>
    %reduce_sum3A_45 = arith.constant dense<0.000000e+00> : vector<1024xf32>
    %reduce_sum3A_46 = vector.multi_reduction <add>, %select_n3A_44, %reduce_sum3A_45 [1] : vector<1024x16xf32> to vector<1024xf32>
    %broadcast_in_dim3A_47 = vector.shape_cast %reduce_sum3A_46 : vector<1024xf32> to vector<1024x1xf32>
    %swap3A_48 = arith.constant 0 : index
    %swap3A_49 = arith.constant 0 : index
    %swap3A_50 = vector.load %arg9[%swap3A_48, %swap3A_49] : memref<1024x1xf32, #tpu.memory_space<vmem>>, vector<1024x1xf32>
    tpu.vector_store %arg9[%swap3A_48, %swap3A_49], %broadcast_in_dim3A_47 {strides = array<i32>} : memref<1024x1xf32, #tpu.memory_space<vmem>>, vector<1024x1xf32>,
    %convert_element_type3A = arith.truncf %get3A_1 : vector<1024x128xf32> to vector<1024x128xbf16>
    %convert_element_type3A_51 = arith.extf %convert_element_type3A : vector<1024x128xbf16> to vector<1024x128xf32>
    %get3A_52 = arith.constant 0 : index
    %get3A_53 = arith.constant 0 : index
    %get3A_54 = vector.load %arg5[%get3A_52, %get3A_53] : memref<1x128xf32, #tpu.memory_space<vmem>>, vector<1x128xf32>
    %convert_element_type3A_55 = arith.truncf %get3A_54 : vector<1x128xf32> to vector<1x128xbf16>
    %convert_element_type3A_56 = arith.extf %convert_element_type3A_55 : vector<1x128xbf16> to vector<1x128xf32>
    %mul3A = vector.broadcast %convert_element_type3A_56 : vector<1x128xf32> to vector<1024x128xf32>
    %mul3A_57 = arith.mulf %convert_element_type3A_51, %mul3A : vector<1024x128xf32>
    %reduce_sum3A_58 = arith.constant dense<0.000000e+00> : vector<1024xf32>
    %reduce_sum3A_59 = vector.multi_reduction <add>, %mul3A_57, %reduce_sum3A_58 [1] : vector<1024x128xf32> to vector<1024xf32>
    %broadcast_in_dim3A_60 = vector.shape_cast %reduce_sum3A_59 : vector<1024xf32> to vector<1024x1xf32>
    %get3A_61 = arith.constant 0 : index
    %get3A_62 = arith.constant 0 : index
    %get3A_63 = vector.load %arg6[%get3A_61, %get3A_62] : memref<1x1xf32, #tpu.memory_space<vmem>>, vector<1x1xf32>
    %add3A_64 = vector.broadcast %get3A_63 : vector<1x1xf32> to vector<1024x1xf32>
    %add3A_65 = arith.addf %broadcast_in_dim3A_60, %add3A_64 : vector<1024x1xf32>
    %swap3A_66 = arith.constant 0 : index
    %swap3A_67 = arith.constant 0 : index
    %swap3A_68 = vector.load %arg10[%swap3A_66, %swap3A_67] : memref<1024x1xf32, #tpu.memory_space<vmem>>, vector<1024x1xf32>
    tpu.vector_store %arg10[%swap3A_66, %swap3A_67], %add3A_65 {strides = array<i32>} : memref<1024x1xf32, #tpu.memory_space<vmem>>, vector<1024x1xf32>,
    return
  }
}

</mosaic_0001>

<sc_bundles>
// kernel: kernel.10.cloned.1.call-start
scs
__scs_entry_jumppad:
0x0: {  	(pc) =	sbr.rel $0x88, $3  }
0x1: {  	(tag) =	ssettag $0x0;
	lr =	simm.s32 $0x1  }
0x2: {  	[smem:$0x3F95] =	sst lr;
	_ =	strace $0xD0000000  }
0x3: {  	_ = 	snop  }
0x4: {  	_ = 	snop  }
0x5: {  	_ = 	snop  }
0x6: {  	_ = 	snop  }
0x7: {  	_ = 	snop  }
__scs_overlays_trampoline_lowered:
0x8: {  	[smem:$0x3FA4] =	sst s0  }
0x9: {  	[smem:$0x3FA5] =	sst s1  }
0xa: {  	[smem:$0x3FA6] =	sst s2  }
0xb: {  	[smem:$0x3FA7] =	sst s3  }
0xc: {  	[smem:$0x3FA8] =	sst s4  }
0xd: {  	[smem:$0x3FA9] =	sst s5  }
0xe: {  	[smem:$0x3FAA] =	sst s6  }
0xf: {  	[smem:$0x3FAB] =	sst s7  }
0x10: {  	[smem:$0x3FAC] =	sst s8  }
0x11: {  	[smem:$0x3FAD] =	sst s9;
	s0 =	simm.s32 @!p0 $0x0  }
0x12: {  	s1 =	sld [smem:$0x3F93];
	s0 =	simm.s32 @p0 $0x1  }
0x13: {  	[smem:$0x3FAE] =	sst s0;
	s0 =	simm.s32 @!p1 $0x0  }
0x14: {  	s2 =	sld [smem:$0x3F92];
	s0 =	simm.s32 @p1 $0x1  }
0x15: {  	[smem:$0x3FAF] =	sst s0;
	s0 =	simm.s32 @!p2 $0x0  }
0x16: {  	s3 =	sld [smem:$0x3FDB];
	s0 =	simm.s32 @p2 $0x1  }
0x17: {  	s4 =	simm.s32 $0x1BF5;
	[smem:$0x3FB1] =	sst s0  }
0x18: {  	s0 =	sld [smem:$0x3F94];
	_ =	swait.ge [sflag:s4], $0x0  }
0x19: {  	s7 =	sld [smem:$0x3F95]  }
0x1a: {  	s8 =	sadd.s32 $0xFFFFE003, lr  }
0x1b: {  	s9 =	sadd.s32 $0xFFFFFEF7, lr;
	s5 =	simm.s32 $0xFFFFFFFF;
	p2 =	slt.u32 s8, $0xFFFFF086  }
0x1c: {  	p1 =	slt.u32 s9, $0xF7A;
	s5 =	simm.s32 @!p2 $0x0  }
0x1d: {  	s5 =	simm.s32 @p1 $0x1;
	p0 =	seq.s32 s7, s2  }
0x1e: {  	s7 =	smul.u32 @!p0 $0xF7A, s2;
	p2 =	seq.s32 @!p0 s5, $0x0  }
0x1f: {  	s9 =	smul.u32 $0xF7A, s1;
	s8 =	simm.s32 @!p0 $0x1BF5;
	p2 =	por !p2, p0  }
0x20: {  	[sflag:s8] =	ssyncset.s32 @!p0 $0xFFFFF086;
	s6 =	sadd.s32 @!p0 s3, s7;
	s7 =	simm.s32 @!p0 $0x108  }
0x21: {  	s3 =	sadd.s32 s3, s9;
	s6 =	sadd.s32 @!p0 $0x88, s6;
	s7 =	simm.s32 @p2 $0x1082  }
0x22: {  	[simem:s7], [sflag:s8] =	dma.local @!p0 [hbm:s6], $0xF7A  }
0x23: {  	s9 =	sor.u32 $0xD0000000, s2;
	s6 =	simm.s32 $0x108;
	_ =	swait.ge @!p0 [sflag:s8], $0x0  }
0x24: {  	s3 =	sadd.s32 $0x88, s3;
	s6 =	simm.s32 @!p1 $0x1082;
	[sflag:s4] =	ssyncset.s32 $0xFFFFF086  }
0x25: {  	[simem:s6], [sflag:s4] =	dma.local [hbm:s3], $0xF7A  }
0x26: {  	[smem:$0x3F95] =	sst s1;
	(tag) =	ssettag s2;
	_ =	strace s9  }
0x27: {  	s1 =	sld [smem:$0x3FA5]  }
0x28: {  	s2 =	sld [smem:$0x3FA6]  }
0x29: {  	s4 =	sld [smem:$0x3FA8]  }
0x2a: {  	p0 =	seq.s32 s5, $0x0;
	s5 =	sld [smem:$0x3FA9]  }
0x2b: {  	s6 =	sld [smem:$0x3FAA]  }
0x2c: {  	s7 =	sld [smem:$0x3FAB]  }
0x2d: {  	s3 =	simm.s32 $0x108;
	s8 =	sld [smem:$0x3FAC]  }
0x2e: {  	s3 =	simm.s32 @!p0 $0x1082;
	s9 =	sld [smem:$0x3FAD]  }
0x2f: {  	lr =	sadd.s32 s0, s3;
	s0 =	sld [smem:$0x3FA4]  }
0x30: {  	s3 =	sld [smem:$0x3FA7]  }
0x31: {  	[smem:$0x3FB0] =	sst s10  }
0x32: {  	s10 =	sld [smem:$0x3FAE];
	_ =	sdelay $0x3  }
0x33: {  	p0 =	seq.s32 s10, $0x1;
	s10 =	sld [smem:$0x3FB0];
	_ =	sdelay $0x3  }
0x34: {  	[smem:$0x3FB0] =	sst s10  }
0x35: {  	s10 =	sld [smem:$0x3FAF];
	_ =	sdelay $0x3  }
0x36: {  	p1 =	seq.s32 s10, $0x1;
	s10 =	sld [smem:$0x3FB0];
	_ =	sdelay $0x3  }
0x37: {  	[smem:$0x3FB0] =	sst s10  }
0x38: {  	s10 =	sld [smem:$0x3FB1]  }
0x39: {  	_ = 	snop;
	(pc) =	sbr.ind lr, $3  }
0x3a: {  	_ = 	snop  }
0x3b: {  	_ = 	snop  }
0x3c: {  	p2 =	seq.s32 s10, $0x1;
	s10 =	sld [smem:$0x3FB0]  }
0x3d: {  	_ =	shalt  }
0x3e: {  	_ =	shalt  }
0x3f: {  	_ =	shalt  }
0x40: {  	_ =	shalt  }
0x41: {  	_ =	shalt  }
0x42: {  	_ =	shalt  }
0x43: {  	_ =	shalt  }
0x44: {  	_ =	shalt  }
0x45: {  	_ =	shalt  }
0x46: {  	_ =	shalt  }
0x47: {  	_ =	shalt  }
0x48: {  	_ =	shalt  }
0x49: {  	_ =	shalt  }
0x4a: {  	_ =	shalt  }
0x4b: {  	_ =	shalt  }
0x4c: {  	_ =	shalt  }
0x4d: {  	_ =	shalt  }
0x4e: {  	_ =	shalt  }
0x4f: {  	_ =	shalt  }
0x50: {  	_ =	shalt  }
0x51: {  	_ =	shalt  }
0x52: {  	_ =	shalt  }
0x53: {  	_ =	shalt  }
0x54: {  	_ =	shalt  }
0x55: {  	_ =	shalt  }
0x56: {  	_ =	shalt  }
0x57: {  	_ =	shalt  }
0x58: {  	_ =	shalt  }
0x59: {  	_ =	shalt  }
0x5a: {  	_ =	shalt  }
0x5b: {  	_ =	shalt  }
0x5c: {  	_ =	shalt  }
0x5d: {  	_ =	shalt  }
0x5e: {  	_ =	shalt  }
0x5f: {  	_ =	shalt  }
0x60: {  	_ =	shalt  }
0x61: {  	_ =	shalt  }
0x62: {  	_ =	shalt  }
0x63: {  	_ =	shalt  }
0x64: {  	_ =	shalt  }
0x65: {  	_ =	shalt  }
0x66: {  	_ =	shalt  }
0x67: {  	_ =	shalt  }
0x68: {  	_ =	shalt  }
0x69: {  	_ =	shalt  }
0x6a: {  	_ =	shalt  }
0x6b: {  	_ =	shalt  }
0x6c: {  	_ =	shalt  }
0x6d: {  	_ =	shalt  }
0x6e: {  	_ =	shalt  }
0x6f: {  	_ =	shalt  }
0x70: {  	_ =	shalt  }
0x71: {  	_ =	shalt  }
0x72: {  	_ =	shalt  }
0x73: {  	_ =	shalt  }
0x74: {  	_ =	shalt  }
0x75: {  	_ =	shalt  }
0x76: {  	_ =	shalt  }
0x77: {  	_ =	shalt  }
0x78: {  	_ =	shalt  }
0x79: {  	_ =	shalt  }
0x7a: {  	_ =	shalt  }
0x7b: {  	_ =	shalt  }
0x7c: {  	_ =	shalt  }
0x7d: {  	_ =	shalt  }
0x7e: {  	_ =	shalt  }
0x7f: {  	_ =	shalt  }
0x80: {  	_ =	shalt  }
0x81: {  	_ =	shalt  }
0x82: {  	_ =	shalt  }
0x83: {  	_ =	shalt  }
0x84: {  	_ =	shalt  }
0x85: {  	_ =	shalt  }
0x86: {  	_ =	shalt  }
0x87: {  	_ =	shalt  }
.Lfunc_end0:
.L_simem_size_0:
called_computation_lowered:
.L_overlay_start_0:
0x88: {  	s2 =	sld [smem:$0x3FD9]  }
0x89: {  	s3 =	sld [smem:$0x3FFE];
	_ =	sdelay $0x1  }
0x8a: {  	s1 =	srdreg.scid  }
0x8b: {  	s0 =	sand.u32 $0x1, s1  }
0x8c: {  	s16 =	sshll.u32 s0, $0xA;
	s2 =	sadd.s32 s3, s2  }
0x8d: {  	s2 =	sadd.s32 s2, s16  }
0x8e: {  	[smem:$0x3FBC] =	sst s2  }
0x8f: {  	_ = 	snop  }
0x90: {  	(tm) =	ssettm $0x1  }
0x91: {  	s17 =	sld [smem:$0x3FFB];
	_ =	sdelay $0x3  }
0x92: {  	_ =	strace s17  }
0x93: {  	s2 =	sld [smem:$0x3FFC];
	_ =	sdelay $0x3  }
0x94: {  	_ =	strace s2  }
0x95: {  	s2 =	sld [smem:$0x3FFD];
	_ =	sdelay $0x3  }
0x96: {  	_ =	strace s2  }
0x97: {  	_ =	strace $0x8FFFFFFF  }
0x98: {  	s18 =	sld [smem:$0x3FDB];
	_ =	sdelay $0x1  }
0x99: {  	s19 =	simm.s32 $_scs_section_size  }
0x9a: {  	s4 =	simm.s32 $_size__tile_overlayer_lowered;
	s5 =	simm.s32 $_tile_overlayer_lowered  }
0x9b: {  	s22 =	simm.s32 $0x1BFF;
	s21 =	sshll.u32 s5, $0x1;
	s2 =	sadd.s32 s19, s18  }
0x9c: {  	s6 =	simm.s32 $0x0;
	s20 =	sshll.u32 s4, $0x1;
	s4 =	sadd.s32 s21, s2  }
0x9d: {  	[timem:s6], [sflag:s22] =	dma.local [hbm:s4], s20  }
0x9e: {  	_ =	swait.ge [sflag:s22], s20  }
0x9f: {  	s3 =	ssub.s32 $0x0, s20;
	[sflag:s22] =	ssyncset.done $0x0  }
0xa0: {  	[sflag:s22] =	ssyncadd.s32 s3;
	_ =	sdelay $0x1  }
0xa1: {  	s23 =	simm.s32 $0x1B8B  }
0xa2: {  	_ =	swait.ge [sflag:s23], $0x1  }
0xa3: {  	[sflag:s23] =	ssyncset.done $0x0  }
0xa4: {  	s25 =	simm.s32 $0x1B8E;
	s24 =	sld [smem:$0x3FFE];
	[sflag:s23] =	ssyncadd.s32 $0xFFFFFFFF  }
0xa5: {  	s26 =	simm.s32 $execute0_lowered;
	[smem:$0x3FD2] =	sst s25  }
0xa6: {  	s4 =	sshll.u32 s26, $0x1;
	_ =	strace $0x80000046;
	[dreg:$0x1] =	wrdreg $0xFFFFFFFF  }
0xa7: {  	s28 =	simm.s32 $_size_execute0_lowered;
	s2 =	sadd.s32 s2, s4;
	[dreg:$0x0] =	wrdreg $0x0  }
0xa8: {  	s4 =	sshll.u32 s28, $0x1;
	[dreg:$0x2] =	wrdreg s2  }
0xa9: {  	[dreg:$0x3] =	wrdreg s4  }
0xaa: {  	[dreg:$0x4] =	wrdreg $0xC0  }
0xab: {  	_ =	task [dreg:s6], $0x5FFFF  }
0xac: {  	[dreg:$0x1] =	wrdreg $0xFFFFFFFF  }
0xad: {  	[dreg:$0x0] =	wrdreg $0x60  }
0xae: {  	[dreg:$0x2] =	wrdreg s24  }
0xaf: {  	[dreg:$0x3] =	wrdreg $0x65000  }
0xb0: {  	[dreg:$0x4] =	wrdreg $0x9  }
0xb1: {  	_ =	task.clear_ibuf [dreg:s6], $0x5FFFF;
	_ =	strace $0x90000046  }
0xb2: {  	s29 =	simm.s32 $0x9;
	_ =	strace $0x80000048  }
0xb3: {  	_ =	swait.ge [sflag:s29], $0x1  }
0xb4: {  	[sflag:s29] =	ssyncadd.s32 $0xFFFFFFFF  }
0xb5: {  	_ =	strace $0x90000048  }
0xb6: {  	_ =	sfence  }
0xb7: {  	s30 =	sld [smem:$0x0];
	_ =	sdelay $0x2  }
0xb8: {  	s31 =	sshll.u32 s1, $0xD;
	s1 =	sshrl.u32 s1, $0x2  }
0xb9: {  	s3 =	sand.u32 $0x4000, s31;
	s1 =	sadd.s32 s1, s30  }
0xba: {  	s0 =	sor.u32 s3, s0;
	s1 =	sshll.u32 s1, $0x11  }
0xbb: {  	s0 =	sor.u32 s1, s0  }
0xbc: {  	s0 =	sadd.s32 $0x8F2B, s0  }
0xbd: {  	[sflag:s0] =	ssyncadd.remote.s32 $0x1  }
0xbe: {  	_ =	sfence.sel $0xFFFF  }
0xbf: {  	[dreg:$0x0] =	wrdreg $0xFFFFFFFF;
	(pc) =	sbr.abs _section_cstart, $3  }
0xc0: {  	[dreg:$0x1] =	wrdreg $0xFFFFFFFF  }
0xc1: {  	_ =	task.clear_ibuf [dreg:s6], $0x2FFFF;
	_ =	strace $0x9FFFFFFF  }
0xc2: {  	(tm) =	ssettm $0x7FFFFFFF  }
0xc3: {  	_ =	shalt  }
tec
execute0_lowered:
.L_overlay_start_1:
0x0: {  	(tag) =	ssettag $0x1  }
0x1: {  	s6 =	rddreg [dreg:$0x0]  }
0x2: {  	s0 =	srdreg.scid;
	s2 =	rddreg [dreg:$0x1]  }
0x3: {  	s1 =	rddreg [dreg:$0x2];
	s5 =	sand.u32 $0x1, s0  }
0x4: {  	s0 =	stileid.u32;
	s4 =	smul.u32 $0x27100, s5  }
0x5: {  	s3 =	simm.s32 $0x0;
	s12 =	simm.s32 $0x100;
	s7 =	smul.u32 $0x2710, s0  }
0x6: {  	s13 =	simm.s32 $0xC8;
	[smem:$0x7FF] =	sst s3;
	s28 =	smul.u32 $0x2800, s0  }
0x7: {  	s14 =	simm.s32 $0x0;
	_ =	strace $0x80000047;
	s8 =	smul.u32 $0x28000, s5  }
0x8: {  	s5 =	ssub.s32 $0x2, s5;
	s10 =	smul.u32 $0x50000, s0;
	s31 =	sshll.u32 s0, $0x6  }
0x9: {  	s29 =	sshrl.u32 s5, $0x1;
	s4 =	sadd.s32 s7, s4;
	s11 =	sadd.s32 s28, s6  }
0xa: {  	s7 =	sadd.s32 s28, s8;
	s8 =	ssub.s32 s5, s29;
	s30 =	sshrl.u32 s10, $0x2  }
0xb: {  	s4 =	sshrl.u32 s4, $0x3;
	s7 =	sadd.s32 s7, s6;
	s10 =	sadd.s32 s30, s2  }
0xc: {  	s5 =	sadd.s32 $0xD400, s11;
	s8 =	smax.u32 s8, $0x1;
	s11 =	simm.s32 $0x1  }
0xd: {  	s9 =	sadd.s32 s4, s6;
	s4 =	sadd.s32 $0x35400, s6;
	s6 =	sor.u32 $0x1C01, s31  }
0xe: {  	s7 =	sadd.s32 $0x36200, s7;
	s10 =	sshrl.u32 s10, $0x3;
	s9 =	sadd.s32 $0x3600, s9  }
.LBB2_1:
0xf: {  	[spmem:s10], [sflag:s6] =	dma.local [hbm:s5], $0x2800  }
0x10: {  	_ =	swait.ge [sflag:s11], $0x2800  }
0x11: {  	[sflag:s11] =	ssyncset.done $0x0  }
0x12: {  	[sflag:s11] =	ssyncadd.s32 $0xFFFFD800  }
0x13: {  	[tilespmem:s12], [sflag:$0x1] =	stream.linear.gather [hbm4b:s4+s3], $0x6400, $0x38;
	[tilespmem:$0x1A500] =	vst v63  }
0x14: {  	_ =	swait.ge [sflag:s11], $0x6400  }
0x15: {  	[sflag:s11] =	ssyncset.done $0x0  }
0x16: {  	[sflag:s11] =	ssyncadd.s32 $0xFFFF9C00  }
0x17: {  	s15 =	sadd.s32 $0x0, s9;
	[bflag:$0x0] =	sbarrier.arrive $0xFFFF  }
0x18: {  	[tilespmem:s3], [sflag:$0x1] =	stream.linear.gather [hbm4b:s15+s3], $0xC8, $0x38;
	[tilespmem:$0x1A500] =	vst v63  }
0x19: {  	_ =	swait.ge [sflag:s11], $0xC8  }
0x1a: {  	[sflag:s11] =	ssyncset.done $0x0  }
0x1b: {  	[sflag:s11] =	ssyncadd.s32 $0xFFFFFF38  }
0x1c: {  	[spmem:s2] =	stream.indirect.scatter.add.f32 [tilespmem:s12], [sflag:$0x1], $0x80, s3, s13, $0xb8;
	[tilespmem:$0x1A500] =	vst v63  }
0x1d: {  	_ =	swait.ge [sflag:s11], $0x6400  }
0x1e: {  	s16 =	simm.s32 $0x32;
	s15 =	simm.s32 $0x19;
	[sflag:s11] =	ssyncset.done $0x0  }
.LBB2_2:
0x1f: {  	s17 =	sadd.s32 s15, s9  }
0x20: {  	[sflag:s11] =	ssyncadd.s32 $0xFFFF9C00;
	s15 =	smov.u32 s16;
	s18 =	sadd.s32 $0x19, s16  }
0x21: {  	[tilespmem:s3], [sflag:$0x1] =	stream.linear.gather [hbm4b:s17+s3], $0xC8, $0x38;
	[tilespmem:$0x1A500] =	vst v63  }
0x22: {  	p0 =	sne.s32 s16, $0x4C9;
	_ =	swait.ge [sflag:s11], $0xC8  }
.Ltmp0:
0x23: {  	[sflag:s11] =	ssyncset.done $0x0;
	(pc) =	sbr.rel @p0 .LBB2_2-.Ltmp0, $4  }
0x24: {  	[sflag:s11] =	ssyncadd.s32 $0xFFFFFF38  }
0x25: {  	[spmem:s2] =	stream.indirect.scatter.add.f32 [tilespmem:s12], [sflag:$0x1], $0x80, s3, s13, $0xb8;
	[tilespmem:$0x1A500] =	vst v63  }
0x26: {  	_ =	swait.ge [sflag:s11], $0x6400  }
0x27: {  	s16 =	smov.u32 s18;
	[sflag:s11] =	ssyncset.done $0x0  }
0x28: {  	s15 =	sadd.s32 s15, s9;
	[sflag:s11] =	ssyncadd.s32 $0xFFFF9C00  }
0x29: {  	[tilespmem:s3], [sflag:$0x1] =	stream.linear.gather [hbm4b:s15+s3], $0xC8, $0x38;
	[tilespmem:$0x1A500] =	vst v63  }
0x2a: {  	_ =	swait.ge [sflag:s11], $0xC8  }
0x2b: {  	[sflag:s11] =	ssyncset.done $0x0  }
0x2c: {  	[sflag:s11] =	ssyncadd.s32 $0xFFFFFF38  }
0x2d: {  	[spmem:s2] =	stream.indirect.scatter.add.f32 [tilespmem:s12], [sflag:$0x1], $0x80, s3, s13, $0xb8;
	[tilespmem:$0x1A500] =	vst v63  }
0x2e: {  	_ =	swait.ge [sflag:s11], $0x6400  }
0x2f: {  	s14 =	sadd.s32 $0x1, s14;
	[sflag:s11] =	ssyncset.done $0x0  }
0x30: {  	p0 =	sne.s32 s14, s8;
	[sflag:s11] =	ssyncadd.s32 $0xFFFF9C00  }
.Ltmp1:
0x31: {  	[bflag:$0x0] =	sbarrier.arrive $0xFFFF;
	(pc) =	sbr.rel @p0 .LBB2_1-.Ltmp1, $4  }
0x32: {  	[hbm:s7], [sflag:s6] =	dma.local [spmem:s10], $0x2800  }
0x33: {  	_ =	swait.ge [sflag:s11], $0x2800  }
0x34: {  	[sflag:s11] =	ssyncset.done $0x0  }
0x35: {  	[sflag:s11] =	ssyncadd.s32 $0xFFFFD800  }
0x36: {  	_ =	sfence.sel $0x180000  }
0x37: {  	[bflag:$0x0] =	sbarrier.arrive $0xFFFF  }
0x38: {  	p0 =	sne.s32 s0, $0x0;
	_ =	strace $0x90000047  }
0x39: {  	s0 =	sadd.s32 @!p0 $0x100000, s1;
	[bflag:$0x2] =	sbarrier.arrive $0xFFFF  }
0x3a: {  	[sflag:s0] =	ssyncadd.tile.s32 @!p0 $0x1;
	_ =	shalt  }
.Lfunc_end2:
_tile_overlayer_lowered:
.L_overlay_start_2:
0x3b: {  	(tag) =	ssettag $0x2  }
0x3c: {  	s0 =	rddreg [dreg:$0x0];
	s2 =	stileid.u32  }
0x3d: {  	s1 =	rddreg [dreg:$0x1];
	p0 =	sne.s32 s2, $0x0  }
0x3e: {  	s3 =	rddreg [dreg:$0x2];
	[bflag:$0x3] =	sbarrier.arrive $0xFFFF;
	s2 =	simm.s32 @!p0 $0x1C01  }
0x3f: {  	[timem:s3], [sflag:s2] =	dma.local @!p0 [hbm:s0], s1  }
0x40: {  	s0 =	simm.s32 @!p0 $0x1  }
0x41: {  	_ =	swait.ge @!p0 [sflag:s0], s1  }
0x42: {  	s1 =	ssub.s32 @!p0 $0x0, s1;
	[sflag:s0] =	ssyncset.done @!p0 $0x0  }
0x43: {  	[sflag:s0] =	ssyncadd.s32 @!p0 s1  }
0x44: {  	[bflag:$0x3] =	sbarrier.arrive $0xFFFF  }
0x45: {  	_ =	shalt  }

// kernel: kernel.13.cloned.1.call-start
scs
__scs_entry_jumppad:
0x0: {  	(pc) =	sbr.rel $0x88, $3  }
0x1: {  	(tag) =	ssettag $0x0;
	lr =	simm.s32 $0x1  }
0x2: {  	[smem:$0x3F95] =	sst lr;
	_ =	strace $0xD0000000  }
0x3: {  	_ = 	snop  }
0x4: {  	_ = 	snop  }
0x5: {  	_ = 	snop  }
0x6: {  	_ = 	snop  }
0x7: {  	_ = 	snop  }
__scs_overlays_trampoline_lowered:
0x8: {  	[smem:$0x3FA4] =	sst s0  }
0x9: {  	[smem:$0x3FA5] =	sst s1  }
0xa: {  	[smem:$0x3FA6] =	sst s2  }
0xb: {  	[smem:$0x3FA7] =	sst s3  }
0xc: {  	[smem:$0x3FA8] =	sst s4  }
0xd: {  	[smem:$0x3FA9] =	sst s5  }
0xe: {  	[smem:$0x3FAA] =	sst s6  }
0xf: {  	[smem:$0x3FAB] =	sst s7  }
0x10: {  	[smem:$0x3FAC] =	sst s8  }
0x11: {  	[smem:$0x3FAD] =	sst s9;
	s0 =	simm.s32 @!p0 $0x0  }
0x12: {  	s1 =	sld [smem:$0x3F93];
	s0 =	simm.s32 @p0 $0x1  }
0x13: {  	[smem:$0x3FAE] =	sst s0;
	s0 =	simm.s32 @!p1 $0x0  }
0x14: {  	s2 =	sld [smem:$0x3F92];
	s0 =	simm.s32 @p1 $0x1  }
0x15: {  	[smem:$0x3FAF] =	sst s0;
	s0 =	simm.s32 @!p2 $0x0  }
0x16: {  	s3 =	sld [smem:$0x3FDB];
	s0 =	simm.s32 @p2 $0x1  }
0x17: {  	s4 =	simm.s32 $0x1BF5;
	[smem:$0x3FB1] =	sst s0  }
0x18: {  	s0 =	sld [smem:$0x3F94];
	_ =	swait.ge [sflag:s4], $0x0  }
0x19: {  	s7 =	sld [smem:$0x3F95]  }
0x1a: {  	s8 =	sadd.s32 $0xFFFFE003, lr  }
0x1b: {  	s9 =	sadd.s32 $0xFFFFFEF7, lr;
	s5 =	simm.s32 $0xFFFFFFFF;
	p2 =	slt.u32 s8, $0xFFFFF086  }
0x1c: {  	p1 =	slt.u32 s9, $0xF7A;
	s5 =	simm.s32 @!p2 $0x0  }
0x1d: {  	s5 =	simm.s32 @p1 $0x1;
	p0 =	seq.s32 s7, s2  }
0x1e: {  	s7 =	smul.u32 @!p0 $0xF7A, s2;
	p2 =	seq.s32 @!p0 s5, $0x0  }
0x1f: {  	s9 =	smul.u32 $0xF7A, s1;
	s8 =	simm.s32 @!p0 $0x1BF5;
	p2 =	por !p2, p0  }
0x20: {  	[sflag:s8] =	ssyncset.s32 @!p0 $0xFFFFF086;
	s6 =	sadd.s32 @!p0 s3, s7;
	s7 =	simm.s32 @!p0 $0x108  }
0x21: {  	s3 =	sadd.s32 s3, s9;
	s6 =	sadd.s32 @!p0 $0x88, s6;
	s7 =	simm.s32 @p2 $0x1082  }
0x22: {  	[simem:s7], [sflag:s8] =	dma.local @!p0 [hbm:s6], $0xF7A  }
0x23: {  	s9 =	sor.u32 $0xD0000000, s2;
	s6 =	simm.s32 $0x108;
	_ =	swait.ge @!p0 [sflag:s8], $0x0  }
0x24: {  	s3 =	sadd.s32 $0x88, s3;
	s6 =	simm.s32 @!p1 $0x1082;
	[sflag:s4] =	ssyncset.s32 $0xFFFFF086  }
0x25: {  	[simem:s6], [sflag:s4] =	dma.local [hbm:s3], $0xF7A  }
0x26: {  	[smem:$0x3F95] =	sst s1;
	(tag) =	ssettag s2;
	_ =	strace s9  }
0x27: {  	s1 =	sld [smem:$0x3FA5]  }
0x28: {  	s2 =	sld [smem:$0x3FA6]  }
0x29: {  	s4 =	sld [smem:$0x3FA8]  }
0x2a: {  	p0 =	seq.s32 s5, $0x0;
	s5 =	sld [smem:$0x3FA9]  }
0x2b: {  	s6 =	sld [smem:$0x3FAA]  }
0x2c: {  	s7 =	sld [smem:$0x3FAB]  }
0x2d: {  	s3 =	simm.s32 $0x108;
	s8 =	sld [smem:$0x3FAC]  }
0x2e: {  	s3 =	simm.s32 @!p0 $0x1082;
	s9 =	sld [smem:$0x3FAD]  }
0x2f: {  	lr =	sadd.s32 s0, s3;
	s0 =	sld [smem:$0x3FA4]  }
0x30: {  	s3 =	sld [smem:$0x3FA7]  }
0x31: {  	[smem:$0x3FB0] =	sst s10  }
0x32: {  	s10 =	sld [smem:$0x3FAE];
	_ =	sdelay $0x3  }
0x33: {  	p0 =	seq.s32 s10, $0x1;
	s10 =	sld [smem:$0x3FB0];
	_ =	sdelay $0x3  }
0x34: {  	[smem:$0x3FB0] =	sst s10  }
0x35: {  	s10 =	sld [smem:$0x3FAF];
	_ =	sdelay $0x3  }
0x36: {  	p1 =	seq.s32 s10, $0x1;
	s10 =	sld [smem:$0x3FB0];
	_ =	sdelay $0x3  }
0x37: {  	[smem:$0x3FB0] =	sst s10  }
0x38: {  	s10 =	sld [smem:$0x3FB1]  }
0x39: {  	_ = 	snop;
	(pc) =	sbr.ind lr, $3  }
0x3a: {  	_ = 	snop  }
0x3b: {  	_ = 	snop  }
0x3c: {  	p2 =	seq.s32 s10, $0x1;
	s10 =	sld [smem:$0x3FB0]  }
0x3d: {  	_ =	shalt  }
0x3e: {  	_ =	shalt  }
0x3f: {  	_ =	shalt  }
0x40: {  	_ =	shalt  }
0x41: {  	_ =	shalt  }
0x42: {  	_ =	shalt  }
0x43: {  	_ =	shalt  }
0x44: {  	_ =	shalt  }
0x45: {  	_ =	shalt  }
0x46: {  	_ =	shalt  }
0x47: {  	_ =	shalt  }
0x48: {  	_ =	shalt  }
0x49: {  	_ =	shalt  }
0x4a: {  	_ =	shalt  }
0x4b: {  	_ =	shalt  }
0x4c: {  	_ =	shalt  }
0x4d: {  	_ =	shalt  }
0x4e: {  	_ =	shalt  }
0x4f: {  	_ =	shalt  }
0x50: {  	_ =	shalt  }
0x51: {  	_ =	shalt  }
0x52: {  	_ =	shalt  }
0x53: {  	_ =	shalt  }
0x54: {  	_ =	shalt  }
0x55: {  	_ =	shalt  }
0x56: {  	_ =	shalt  }
0x57: {  	_ =	shalt  }
0x58: {  	_ =	shalt  }
0x59: {  	_ =	shalt  }
0x5a: {  	_ =	shalt  }
0x5b: {  	_ =	shalt  }
0x5c: {  	_ =	shalt  }
0x5d: {  	_ =	shalt  }
0x5e: {  	_ =	shalt  }
0x5f: {  	_ =	shalt  }
0x60: {  	_ =	shalt  }
0x61: {  	_ =	shalt  }
0x62: {  	_ =	shalt  }
0x63: {  	_ =	shalt  }
0x64: {  	_ =	shalt  }
0x65: {  	_ =	shalt  }
0x66: {  	_ =	shalt  }
0x67: {  	_ =	shalt  }
0x68: {  	_ =	shalt  }
0x69: {  	_ =	shalt  }
0x6a: {  	_ =	shalt  }
0x6b: {  	_ =	shalt  }
0x6c: {  	_ =	shalt  }
0x6d: {  	_ =	shalt  }
0x6e: {  	_ =	shalt  }
0x6f: {  	_ =	shalt  }
0x70: {  	_ =	shalt  }
0x71: {  	_ =	shalt  }
0x72: {  	_ =	shalt  }
0x73: {  	_ =	shalt  }
0x74: {  	_ =	shalt  }
0x75: {  	_ =	shalt  }
0x76: {  	_ =	shalt  }
0x77: {  	_ =	shalt  }
0x78: {  	_ =	shalt  }
0x79: {  	_ =	shalt  }
0x7a: {  	_ =	shalt  }
0x7b: {  	_ =	shalt  }
0x7c: {  	_ =	shalt  }
0x7d: {  	_ =	shalt  }
0x7e: {  	_ =	shalt  }
0x7f: {  	_ =	shalt  }
0x80: {  	_ =	shalt  }
0x81: {  	_ =	shalt  }
0x82: {  	_ =	shalt  }
0x83: {  	_ =	shalt  }
0x84: {  	_ =	shalt  }
0x85: {  	_ =	shalt  }
0x86: {  	_ =	shalt  }
0x87: {  	_ =	shalt  }
.Lfunc_end0:
.L_simem_size_0:
called_computation.1_lowered:
.L_overlay_start_0:
0x88: {  	s2 =	sld [smem:$0x3FD9]  }
0x89: {  	s3 =	sld [smem:$0x3FFE];
	_ =	sdelay $0x1  }
0x8a: {  	s1 =	srdreg.scid  }
0x8b: {  	s0 =	sand.u32 $0x1, s1  }
0x8c: {  	s16 =	sshll.u32 s0, $0xA;
	s2 =	sadd.s32 s3, s2  }
0x8d: {  	s2 =	sadd.s32 s2, s16  }
0x8e: {  	[smem:$0x3FBC] =	sst s2  }
0x8f: {  	_ = 	snop  }
0x90: {  	(tm) =	ssettm $0x1  }
0x91: {  	s17 =	sld [smem:$0x3FFB];
	_ =	sdelay $0x3  }
0x92: {  	_ =	strace s17  }
0x93: {  	s2 =	sld [smem:$0x3FFC];
	_ =	sdelay $0x3  }
0x94: {  	_ =	strace s2  }
0x95: {  	s2 =	sld [smem:$0x3FFD];
	_ =	sdelay $0x3  }
0x96: {  	_ =	strace s2  }
0x97: {  	_ =	strace $0x8FFFFFFF  }
0x98: {  	s18 =	sld [smem:$0x3FDB];
	_ =	sdelay $0x1  }
0x99: {  	s19 =	simm.s32 $_scs_section_size  }
0x9a: {  	s4 =	simm.s32 $_size__tile_overlayer_lowered;
	s5 =	simm.s32 $_tile_overlayer_lowered  }
0x9b: {  	s22 =	simm.s32 $0x1BFF;
	s21 =	sshll.u32 s5, $0x1;
	s2 =	sadd.s32 s19, s18  }
0x9c: {  	s6 =	simm.s32 $0x0;
	s20 =	sshll.u32 s4, $0x1;
	s4 =	sadd.s32 s21, s2  }
0x9d: {  	[timem:s6], [sflag:s22] =	dma.local [hbm:s4], s20  }
0x9e: {  	_ =	swait.ge [sflag:s22], s20  }
0x9f: {  	s3 =	ssub.s32 $0x0, s20;
	[sflag:s22] =	ssyncset.done $0x0  }
0xa0: {  	[sflag:s22] =	ssyncadd.s32 s3;
	_ =	sdelay $0x1  }
0xa1: {  	s23 =	simm.s32 $0x1B8B  }
0xa2: {  	_ =	swait.ge [sflag:s23], $0x1  }
0xa3: {  	[sflag:s23] =	ssyncset.done $0x0  }
0xa4: {  	s25 =	simm.s32 $0x1B8E;
	s24 =	sld [smem:$0x3FFE];
	[sflag:s23] =	ssyncadd.s32 $0xFFFFFFFF  }
0xa5: {  	s26 =	simm.s32 $execute0_lowered;
	[smem:$0x3FD2] =	sst s25  }
0xa6: {  	s4 =	sshll.u32 s26, $0x1;
	_ =	strace $0x80000049;
	[dreg:$0x1] =	wrdreg $0xFFFFFFFF  }
0xa7: {  	s28 =	simm.s32 $_size_execute0_lowered;
	s2 =	sadd.s32 s2, s4;
	[dreg:$0x0] =	wrdreg $0x0  }
0xa8: {  	s4 =	sshll.u32 s28, $0x1;
	[dreg:$0x2] =	wrdreg s2  }
0xa9: {  	[dreg:$0x3] =	wrdreg s4  }
0xaa: {  	[dreg:$0x4] =	wrdreg $0xC0  }
0xab: {  	_ =	task [dreg:s6], $0x5FFFF  }
0xac: {  	[dreg:$0x1] =	wrdreg $0xFFFFFFFF  }
0xad: {  	[dreg:$0x0] =	wrdreg $0x60  }
0xae: {  	[dreg:$0x2] =	wrdreg s24  }
0xaf: {  	[dreg:$0x3] =	wrdreg $0xBA000  }
0xb0: {  	[dreg:$0x4] =	wrdreg $0x9  }
0xb1: {  	_ =	task.clear_ibuf [dreg:s6], $0x5FFFF;
	_ =	strace $0x90000049  }
0xb2: {  	s29 =	simm.s32 $0x9;
	_ =	strace $0x8000004B  }
0xb3: {  	_ =	swait.ge [sflag:s29], $0x1  }
0xb4: {  	[sflag:s29] =	ssyncadd.s32 $0xFFFFFFFF  }
0xb5: {  	_ =	strace $0x9000004B  }
0xb6: {  	_ =	sfence  }
0xb7: {  	s30 =	sld [smem:$0x0];
	_ =	sdelay $0x2  }
0xb8: {  	s31 =	sshll.u32 s1, $0xD;
	s1 =	sshrl.u32 s1, $0x2  }
0xb9: {  	s3 =	sand.u32 $0x4000, s31;
	s1 =	sadd.s32 s1, s30  }
0xba: {  	s0 =	sor.u32 s3, s0;
	s1 =	sshll.u32 s1, $0x11  }
0xbb: {  	s0 =	sor.u32 s1, s0  }
0xbc: {  	s0 =	sadd.s32 $0x8F2B, s0  }
0xbd: {  	[sflag:s0] =	ssyncadd.remote.s32 $0x1  }
0xbe: {  	_ =	sfence.sel $0xFFFF  }
0xbf: {  	[dreg:$0x0] =	wrdreg $0xFFFFFFFF;
	(pc) =	sbr.abs _section_cstart, $3  }
0xc0: {  	[dreg:$0x1] =	wrdreg $0xFFFFFFFF  }
0xc1: {  	_ =	task.clear_ibuf [dreg:s6], $0x2FFFF;
	_ =	strace $0x9FFFFFFF  }
0xc2: {  	(tm) =	ssettm $0x7FFFFFFF  }
0xc3: {  	_ =	shalt  }
tec
execute0_lowered:
.L_overlay_start_1:
0x0: {  	(tag) =	ssettag $0x1  }
0x1: {  	s0 =	srdreg.scid;
	s6 =	rddreg [dreg:$0x0]  }
0x2: {  	s2 =	rddreg [dreg:$0x1];
	s3 =	simm.s32 $0x0;
	s14 =	simm.s32 $0x68  }
0x3: {  	s15 =	simm.s32 $0x5200;
	s16 =	simm.s32 $0x8600;
	s17 =	simm.s32 $0x1  }
0x4: {  	s18 =	simm.s32 $0x2;
	s5 =	sand.u32 $0x1, s0;
	s0 =	stileid.u32  }
0x5: {  	s19 =	simm.s32 $0x2838;
	s20 =	simm.s32 $0x50D0;
	s8 =	smul.u32 $0x2800, s0  }
0x6: {  	s21 =	simm.s32 $0x5138;
	s22 =	simm.s32 $0x0;
	s9 =	smul.u32 $0x28000, s5  }
0x7: {  	[smem:$0x7FF] =	sst s3;
	s1 =	sshll.u32 s5, $0x4;
	s29 =	smul.u32 $0x50000, s0  }
0x8: {  	s5 =	ssub.s32 $0x2, s5;
	s31 =	sshll.u32 s0, $0x6;
	s4 =	sor.u32 s0, s1  }
0x9: {  	s1 =	rddreg [dreg:$0x2];
	_ =	strace $0x8000004A;
	s30 =	sshrl.u32 s5, $0x1  }
0xa: {  	s7 =	smul.u32 $0x514, s4;
	s11 =	sadd.s32 s8, s6;
	s8 =	sadd.s32 s8, s9  }
0xb: {  	s4 =	sadd.s32 $0x35400, s6;
	s12 =	ssub.s32 s5, s30;
	s9 =	sadd.s32 s8, s6  }
0xc: {  	s5 =	sadd.s32 $0xD400, s11;
	s10 =	sadd.s32 s7, s6;
	s7 =	sshrl.u32 s29, $0x2  }
0xd: {  	s6 =	sor.u32 $0x1C03, s31;
	s9 =	sadd.s32 $0xC2A00, s9;
	s13 =	sadd.s32 s7, s2  }
0xe: {  	s7 =	sadd.s32 $0xB8600, s10;
	s8 =	sadd.s32 $0xAE200, s10;
	s10 =	smax.u32 s12, $0x1  }
0xf: {  	s12 =	simm.s32 $0x3;
	s11 =	sshrl.u32 s13, $0x3;
	s13 =	simm.s32 $0x2900  }
.LBB2_1:
0x10: {  	[spmem:s11], [sflag:s6] =	dma.local [hbm:s5], $0x2800  }
0x11: {  	_ =	swait.ge [sflag:s12], $0x2800  }
0x12: {  	[sflag:s12] =	ssyncset.done $0x0  }
0x13: {  	[sflag:s12] =	ssyncadd.s32 $0xFFFFD800  }
0x14: {  	[tilespmem:s3], [sflag:$0x3] =	stream.linear.gather [hbm4b:s7+s3], $0x28A0, $0x38;
	[tilespmem:$0x1FA00] =	vst v63  }
0x15: {  	_ =	swait.ge [sflag:s12], $0x28A0  }
0x16: {  	[sflag:s12] =	ssyncset.done $0x0  }
0x17: {  	[sflag:s12] =	ssyncadd.s32 $0xFFFFD760  }
0x18: {  	[tilespmem:s13], [sflag:$0x3] =	stream.linear.gather [hbm4b:s8+s3], $0x28A0, $0x38;
	[tilespmem:$0x1FA00] =	vst v63  }
0x19: {  	_ =	swait.ge [sflag:s12], $0x28A0  }
0x1a: {  	[sflag:s12] =	ssyncset.done $0x0  }
0x1b: {  	[sflag:s12] =	ssyncadd.s32 $0xFFFFD760  }
0x1c: {  	[bflag:$0x0] =	sbarrier.arrive $0xFFFF  }
0x1d: {  	[tilespmem:s15], [sflag:$0x1] =	stream.indirect.gather [hbm4b:s4+s14], $0x80, s3, s14, $0xb8;
	[tilespmem:$0x1FA00] =	vst v63  }
0x1e: {  	s23 =	simm.s32 $0x68  }
0x1f: {  	[tilespmem:s16], [sflag:$0x2] =	stream.indirect.gather [hbm4b:s4+s14], $0x80, s23, s14, $0xb8;
	[tilespmem:$0x1FA00] =	vst v63  }
0x20: {  	_ =	swait.ge [sflag:s17], $0x3400  }
0x21: {  	[sflag:s17] =	ssyncset.done $0x0  }
0x22: {  	s29 =	simm.s32 $0x2900;
	[sflag:s17] =	ssyncadd.s32 $0xFFFFCC00  }
0x23: {  	[spmem:s2] =	stream.indirect.scatter.add.f32 [tilespmem:s15], [sflag:$0x3], $0x80, s29, s14, $0xb8;
	[tilespmem:$0x1FA00] =	vst v63  }
0x24: {  	_ =	swait.ge [sflag:s12], $0x3400  }
0x25: {  	[sflag:s12] =	ssyncset.done $0x0  }
0x26: {  	s30 =	simm.s32 $0xD0;
	[sflag:s12] =	ssyncadd.s32 $0xFFFFCC00  }
0x27: {  	[tilespmem:s15], [sflag:$0x1] =	stream.indirect.gather [hbm4b:s4+s14], $0x80, s30, s14, $0xb8;
	[tilespmem:$0x1FA00] =	vst v63  }
0x28: {  	_ =	swait.ge [sflag:s18], $0x3400  }
0x29: {  	[sflag:s18] =	ssyncset.done $0x0  }
0x2a: {  	s31 =	simm.s32 $0x2968;
	[sflag:s18] =	ssyncadd.s32 $0xFFFFCC00  }
0x2b: {  	[spmem:s2] =	stream.indirect.scatter.add.f32 [tilespmem:s16], [sflag:$0x3], $0x80, s31, s14, $0xb8;
	[tilespmem:$0x1FA00] =	vst v63  }
0x2c: {  	_ =	swait.ge [sflag:s12], $0x3400  }
0x2d: {  	s24 =	simm.s32 $0x680;
	s23 =	simm.s32 $0xD0;
	[sflag:s12] =	ssyncset.done $0x0  }
.LBB2_2:
0x2e: {  	s25 =	sadd.s32 $0x68, s23  }
0x2f: {  	[sflag:s12] =	ssyncadd.s32 $0xFFFFCC00;
	s26 =	smov.u32 s24;
	s28 =	sadd.s32 $0x340, s24  }
0x30: {  	[tilespmem:s16], [sflag:$0x2] =	stream.indirect.gather [hbm4b:s4+s14], $0x80, s25, s14, $0xb8;
	[tilespmem:$0x1FA00] =	vst v63  }
0x31: {  	p0 =	sne.s32 s24, $0x9C00;
	_ =	swait.ge [sflag:s17], $0x3400  }
0x32: {  	[sflag:s17] =	ssyncset.done $0x0  }
0x33: {  	s24 =	sadd.s32 $0x2900, s23;
	[sflag:s17] =	ssyncadd.s32 $0xFFFFCC00  }
0x34: {  	[spmem:s2] =	stream.indirect.scatter.add.f32 [tilespmem:s15], [sflag:$0x3], $0x80, s24, s14, $0xb8;
	[tilespmem:$0x1FA00] =	vst v63  }
0x35: {  	_ =	swait.ge [sflag:s12], $0x3400  }
0x36: {  	[sflag:s12] =	ssyncset.done $0x0  }
0x37: {  	s24 =	sadd.s32 $0xD0, s23;
	[sflag:s12] =	ssyncadd.s32 $0xFFFFCC00  }
0x38: {  	[tilespmem:s15], [sflag:$0x1] =	stream.indirect.gather [hbm4b:s4+s14], $0x80, s24, s14, $0xb8;
	[tilespmem:$0x1FA00] =	vst v63  }
0x39: {  	_ =	swait.ge [sflag:s18], $0x3400  }
.Ltmp0:
0x3a: {  	[sflag:s18] =	ssyncset.done $0x0;
	(pc) =	sbr.rel @p0 .LBB2_2-.Ltmp0, $4  }
0x3b: {  	s23 =	sadd.s32 $0x2968, s23;
	[sflag:s18] =	ssyncadd.s32 $0xFFFFCC00  }
0x3c: {  	[spmem:s2] =	stream.indirect.scatter.add.f32 [tilespmem:s16], [sflag:$0x3], $0x80, s23, s14, $0xb8;
	[tilespmem:$0x1FA00] =	vst v63  }
0x3d: {  	_ =	swait.ge [sflag:s12], $0x3400  }
0x3e: {  	s24 =	smov.u32 s28;
	s23 =	sshra.s32 s26, $0x2;
	[sflag:s12] =	ssyncset.done $0x0  }
0x3f: {  	s24 =	sadd.s32 $0x68, s23;
	[sflag:s12] =	ssyncadd.s32 $0xFFFFCC00  }
0x40: {  	[tilespmem:s16], [sflag:$0x2] =	stream.indirect.gather [hbm4b:s4+s14], $0x80, s24, s14, $0xb8;
	[tilespmem:$0x1FA00] =	vst v63  }
0x41: {  	_ =	swait.ge [sflag:s17], $0x3400  }
0x42: {  	[sflag:s17] =	ssyncset.done $0x0  }
0x43: {  	s29 =	sadd.s32 $0x2900, s23;
	[sflag:s17] =	ssyncadd.s32 $0xFFFFCC00  }
0x44: {  	[spmem:s2] =	stream.indirect.scatter.add.f32 [tilespmem:s15], [sflag:$0x3], $0x80, s29, s14, $0xb8;
	[tilespmem:$0x1FA00] =	vst v63  }
0x45: {  	_ =	swait.ge [sflag:s12], $0x3400  }
0x46: {  	[sflag:s12] =	ssyncset.done $0x0  }
0x47: {  	s30 =	sadd.s32 $0xD0, s23;
	[sflag:s12] =	ssyncadd.s32 $0xFFFFCC00  }
0x48: {  	[tilespmem:s15], [sflag:$0x1] =	stream.indirect.gather [hbm4b:s4+s14], $0x80, s30, s14, $0xb8;
	[tilespmem:$0x1FA00] =	vst v63  }
0x49: {  	_ =	swait.ge [sflag:s18], $0x3400  }
0x4a: {  	[sflag:s18] =	ssyncset.done $0x0  }
0x4b: {  	s31 =	sadd.s32 $0x2968, s23;
	[sflag:s18] =	ssyncadd.s32 $0xFFFFCC00  }
0x4c: {  	[spmem:s2] =	stream.indirect.scatter.add.f32 [tilespmem:s16], [sflag:$0x3], $0x80, s31, s14, $0xb8;
	[tilespmem:$0x1FA00] =	vst v63  }
0x4d: {  	_ =	swait.ge [sflag:s12], $0x3400  }
0x4e: {  	[sflag:s12] =	ssyncset.done $0x0  }
0x4f: {  	[sflag:s12] =	ssyncadd.s32 $0xFFFFCC00  }
0x50: {  	[tilespmem:s16], [sflag:$0x2] =	stream.indirect.gather [hbm4b:s4+s14], $0x80, s19, s14, $0xb8;
	[tilespmem:$0x1FA00] =	vst v63  }
0x51: {  	_ =	swait.ge [sflag:s17], $0x3400  }
0x52: {  	[sflag:s17] =	ssyncset.done $0x0  }
0x53: {  	[sflag:s17] =	ssyncadd.s32 $0xFFFFCC00  }
0x54: {  	[spmem:s2] =	stream.indirect.scatter.add.f32 [tilespmem:s15], [sflag:$0x3], $0x80, s20, s14, $0xb8;
	[tilespmem:$0x1FA00] =	vst v63  }
0x55: {  	_ =	swait.ge [sflag:s12], $0x3400  }
0x56: {  	[sflag:s12] =	ssyncset.done $0x0  }
0x57: {  	[sflag:s12] =	ssyncadd.s32 $0xFFFFCC00  }
0x58: {  	_ =	swait.ge [sflag:s18], $0x3400  }
0x59: {  	[sflag:s18] =	ssyncset.done $0x0  }
0x5a: {  	[sflag:s18] =	ssyncadd.s32 $0xFFFFCC00  }
0x5b: {  	[spmem:s2] =	stream.indirect.scatter.add.f32 [tilespmem:s16], [sflag:$0x3], $0x80, s21, s14, $0xb8;
	[tilespmem:$0x1FA00] =	vst v63  }
0x5c: {  	_ =	swait.ge [sflag:s12], $0x3400  }
0x5d: {  	s22 =	sadd.s32 $0x1, s22;
	[sflag:s12] =	ssyncset.done $0x0  }
0x5e: {  	p0 =	sne.s32 s22, s10;
	[sflag:s12] =	ssyncadd.s32 $0xFFFFCC00  }
.Ltmp1:
0x5f: {  	[bflag:$0x0] =	sbarrier.arrive $0xFFFF;
	(pc) =	sbr.rel @p0 .LBB2_1-.Ltmp1, $4  }
0x60: {  	[hbm:s9], [sflag:s6] =	dma.local [spmem:s11], $0x2800  }
0x61: {  	_ =	swait.ge [sflag:s12], $0x2800  }
0x62: {  	[sflag:s12] =	ssyncset.done $0x0  }
0x63: {  	[sflag:s12] =	ssyncadd.s32 $0xFFFFD800  }
0x64: {  	_ =	sfence.sel $0x180000  }
0x65: {  	[bflag:$0x0] =	sbarrier.arrive $0xFFFF  }
0x66: {  	p0 =	sne.s32 s0, $0x0;
	_ =	strace $0x9000004A  }
0x67: {  	s0 =	sadd.s32 @!p0 $0x100000, s1;
	[bflag:$0x2] =	sbarrier.arrive $0xFFFF  }
0x68: {  	[sflag:s0] =	ssyncadd.tile.s32 @!p0 $0x1;
	_ =	shalt  }
.Lfunc_end2:
_tile_overlayer_lowered:
.L_overlay_start_2:
0x69: {  	(tag) =	ssettag $0x2  }
0x6a: {  	s0 =	rddreg [dreg:$0x0];
	s2 =	stileid.u32  }
0x6b: {  	s1 =	rddreg [dreg:$0x1];
	p0 =	sne.s32 s2, $0x0  }
0x6c: {  	s3 =	rddreg [dreg:$0x2];
	[bflag:$0x3] =	sbarrier.arrive $0xFFFF;
	s2 =	simm.s32 @!p0 $0x1C03  }
0x6d: {  	[timem:s3], [sflag:s2] =	dma.local @!p0 [hbm:s0], s1  }
0x6e: {  	s0 =	simm.s32 @!p0 $0x3  }
0x6f: {  	_ =	swait.ge @!p0 [sflag:s0], s1  }
0x70: {  	s1 =	ssub.s32 @!p0 $0x0, s1;
	[sflag:s0] =	ssyncset.done @!p0 $0x0  }
0x71: {  	[sflag:s0] =	ssyncadd.s32 @!p0 s1  }
0x72: {  	[bflag:$0x3] =	sbarrier.arrive $0xFFFF  }
0x73: {  	_ =	shalt  }

// kernel: kernel.16.cloned.1.call-start
scs
__scs_entry_jumppad:
0x0: {  	(pc) =	sbr.rel $0x88, $3  }
0x1: {  	(tag) =	ssettag $0x0;
	lr =	simm.s32 $0x1  }
0x2: {  	[smem:$0x3F95] =	sst lr;
	_ =	strace $0xD0000000  }
0x3: {  	_ = 	snop  }
0x4: {  	_ = 	snop  }
0x5: {  	_ = 	snop  }
0x6: {  	_ = 	snop  }
0x7: {  	_ = 	snop  }
__scs_overlays_trampoline_lowered:
0x8: {  	[smem:$0x3FA4] =	sst s0  }
0x9: {  	[smem:$0x3FA5] =	sst s1  }
0xa: {  	[smem:$0x3FA6] =	sst s2  }
0xb: {  	[smem:$0x3FA7] =	sst s3  }
0xc: {  	[smem:$0x3FA8] =	sst s4  }
0xd: {  	[smem:$0x3FA9] =	sst s5  }
0xe: {  	[smem:$0x3FAA] =	sst s6  }
0xf: {  	[smem:$0x3FAB] =	sst s7  }
0x10: {  	[smem:$0x3FAC] =	sst s8  }
0x11: {  	[smem:$0x3FAD] =	sst s9;
	s0 =	simm.s32 @!p0 $0x0  }
0x12: {  	s1 =	sld [smem:$0x3F93];
	s0 =	simm.s32 @p0 $0x1  }
0x13: {  	[smem:$0x3FAE] =	sst s0;
	s0 =	simm.s32 @!p1 $0x0  }
0x14: {  	s2 =	sld [smem:$0x3F92];
	s0 =	simm.s32 @p1 $0x1  }
0x15: {  	[smem:$0x3FAF] =	sst s0;
	s0 =	simm.s32 @!p2 $0x0  }
0x16: {  	s3 =	sld [smem:$0x3FDB];
	s0 =	simm.s32 @p2 $0x1  }
0x17: {  	s4 =	simm.s32 $0x1BF5;
	[smem:$0x3FB1] =	sst s0  }
0x18: {  	s0 =	sld [smem:$0x3F94];
	_ =	swait.ge [sflag:s4], $0x0  }
0x19: {  	s7 =	sld [smem:$0x3F95]  }
0x1a: {  	s8 =	sadd.s32 $0xFFFFE003, lr  }
0x1b: {  	s9 =	sadd.s32 $0xFFFFFEF7, lr;
	s5 =	simm.s32 $0xFFFFFFFF;
	p2 =	slt.u32 s8, $0xFFFFF086  }
0x1c: {  	p1 =	slt.u32 s9, $0xF7A;
	s5 =	simm.s32 @!p2 $0x0  }
0x1d: {  	s5 =	simm.s32 @p1 $0x1;
	p0 =	seq.s32 s7, s2  }
0x1e: {  	s7 =	smul.u32 @!p0 $0xF7A, s2;
	p2 =	seq.s32 @!p0 s5, $0x0  }
0x1f: {  	s9 =	smul.u32 $0xF7A, s1;
	s8 =	simm.s32 @!p0 $0x1BF5;
	p2 =	por !p2, p0  }
0x20: {  	[sflag:s8] =	ssyncset.s32 @!p0 $0xFFFFF086;
	s6 =	sadd.s32 @!p0 s3, s7;
	s7 =	simm.s32 @!p0 $0x108  }
0x21: {  	s3 =	sadd.s32 s3, s9;
	s6 =	sadd.s32 @!p0 $0x88, s6;
	s7 =	simm.s32 @p2 $0x1082  }
0x22: {  	[simem:s7], [sflag:s8] =	dma.local @!p0 [hbm:s6], $0xF7A  }
0x23: {  	s9 =	sor.u32 $0xD0000000, s2;
	s6 =	simm.s32 $0x108;
	_ =	swait.ge @!p0 [sflag:s8], $0x0  }
0x24: {  	s3 =	sadd.s32 $0x88, s3;
	s6 =	simm.s32 @!p1 $0x1082;
	[sflag:s4] =	ssyncset.s32 $0xFFFFF086  }
0x25: {  	[simem:s6], [sflag:s4] =	dma.local [hbm:s3], $0xF7A  }
0x26: {  	[smem:$0x3F95] =	sst s1;
	(tag) =	ssettag s2;
	_ =	strace s9  }
0x27: {  	s1 =	sld [smem:$0x3FA5]  }
0x28: {  	s2 =	sld [smem:$0x3FA6]  }
0x29: {  	s4 =	sld [smem:$0x3FA8]  }
0x2a: {  	p0 =	seq.s32 s5, $0x0;
	s5 =	sld [smem:$0x3FA9]  }
0x2b: {  	s6 =	sld [smem:$0x3FAA]  }
0x2c: {  	s7 =	sld [smem:$0x3FAB]  }
0x2d: {  	s3 =	simm.s32 $0x108;
	s8 =	sld [smem:$0x3FAC]  }
0x2e: {  	s3 =	simm.s32 @!p0 $0x1082;
	s9 =	sld [smem:$0x3FAD]  }
0x2f: {  	lr =	sadd.s32 s0, s3;
	s0 =	sld [smem:$0x3FA4]  }
0x30: {  	s3 =	sld [smem:$0x3FA7]  }
0x31: {  	[smem:$0x3FB0] =	sst s10  }
0x32: {  	s10 =	sld [smem:$0x3FAE];
	_ =	sdelay $0x3  }
0x33: {  	p0 =	seq.s32 s10, $0x1;
	s10 =	sld [smem:$0x3FB0];
	_ =	sdelay $0x3  }
0x34: {  	[smem:$0x3FB0] =	sst s10  }
0x35: {  	s10 =	sld [smem:$0x3FAF];
	_ =	sdelay $0x3  }
0x36: {  	p1 =	seq.s32 s10, $0x1;
	s10 =	sld [smem:$0x3FB0];
	_ =	sdelay $0x3  }
0x37: {  	[smem:$0x3FB0] =	sst s10  }
0x38: {  	s10 =	sld [smem:$0x3FB1]  }
0x39: {  	_ = 	snop;
	(pc) =	sbr.ind lr, $3  }
0x3a: {  	_ = 	snop  }
0x3b: {  	_ = 	snop  }
0x3c: {  	p2 =	seq.s32 s10, $0x1;
	s10 =	sld [smem:$0x3FB0]  }
0x3d: {  	_ =	shalt  }
0x3e: {  	_ =	shalt  }
0x3f: {  	_ =	shalt  }
0x40: {  	_ =	shalt  }
0x41: {  	_ =	shalt  }
0x42: {  	_ =	shalt  }
0x43: {  	_ =	shalt  }
0x44: {  	_ =	shalt  }
0x45: {  	_ =	shalt  }
0x46: {  	_ =	shalt  }
0x47: {  	_ =	shalt  }
0x48: {  	_ =	shalt  }
0x49: {  	_ =	shalt  }
0x4a: {  	_ =	shalt  }
0x4b: {  	_ =	shalt  }
0x4c: {  	_ =	shalt  }
0x4d: {  	_ =	shalt  }
0x4e: {  	_ =	shalt  }
0x4f: {  	_ =	shalt  }
0x50: {  	_ =	shalt  }
0x51: {  	_ =	shalt  }
0x52: {  	_ =	shalt  }
0x53: {  	_ =	shalt  }
0x54: {  	_ =	shalt  }
0x55: {  	_ =	shalt  }
0x56: {  	_ =	shalt  }
0x57: {  	_ =	shalt  }
0x58: {  	_ =	shalt  }
0x59: {  	_ =	shalt  }
0x5a: {  	_ =	shalt  }
0x5b: {  	_ =	shalt  }
0x5c: {  	_ =	shalt  }
0x5d: {  	_ =	shalt  }
0x5e: {  	_ =	shalt  }
0x5f: {  	_ =	shalt  }
0x60: {  	_ =	shalt  }
0x61: {  	_ =	shalt  }
0x62: {  	_ =	shalt  }
0x63: {  	_ =	shalt  }
0x64: {  	_ =	shalt  }
0x65: {  	_ =	shalt  }
0x66: {  	_ =	shalt  }
0x67: {  	_ =	shalt  }
0x68: {  	_ =	shalt  }
0x69: {  	_ =	shalt  }
0x6a: {  	_ =	shalt  }
0x6b: {  	_ =	shalt  }
0x6c: {  	_ =	shalt  }
0x6d: {  	_ =	shalt  }
0x6e: {  	_ =	shalt  }
0x6f: {  	_ =	shalt  }
0x70: {  	_ =	shalt  }
0x71: {  	_ =	shalt  }
0x72: {  	_ =	shalt  }
0x73: {  	_ =	shalt  }
0x74: {  	_ =	shalt  }
0x75: {  	_ =	shalt  }
0x76: {  	_ =	shalt  }
0x77: {  	_ =	shalt  }
0x78: {  	_ =	shalt  }
0x79: {  	_ =	shalt  }
0x7a: {  	_ =	shalt  }
0x7b: {  	_ =	shalt  }
0x7c: {  	_ =	shalt  }
0x7d: {  	_ =	shalt  }
0x7e: {  	_ =	shalt  }
0x7f: {  	_ =	shalt  }
0x80: {  	_ =	shalt  }
0x81: {  	_ =	shalt  }
0x82: {  	_ =	shalt  }
0x83: {  	_ =	shalt  }
0x84: {  	_ =	shalt  }
0x85: {  	_ =	shalt  }
0x86: {  	_ =	shalt  }
0x87: {  	_ =	shalt  }
.Lfunc_end0:
.L_simem_size_0:
called_computation.2_lowered:
.L_overlay_start_0:
0x88: {  	s2 =	sld [smem:$0x3FD9]  }
0x89: {  	s3 =	sld [smem:$0x3FFE];
	_ =	sdelay $0x1  }
0x8a: {  	s1 =	srdreg.scid  }
0x8b: {  	s0 =	sand.u32 $0x1, s1  }
0x8c: {  	s16 =	sshll.u32 s0, $0xA;
	s2 =	sadd.s32 s3, s2  }
0x8d: {  	s2 =	sadd.s32 s2, s16  }
0x8e: {  	[smem:$0x3FBC] =	sst s2  }
0x8f: {  	_ = 	snop  }
0x90: {  	(tm) =	ssettm $0x1  }
0x91: {  	s17 =	sld [smem:$0x3FFB];
	_ =	sdelay $0x3  }
0x92: {  	_ =	strace s17  }
0x93: {  	s2 =	sld [smem:$0x3FFC];
	_ =	sdelay $0x3  }
0x94: {  	_ =	strace s2  }
0x95: {  	s2 =	sld [smem:$0x3FFD];
	_ =	sdelay $0x3  }
0x96: {  	_ =	strace s2  }
0x97: {  	_ =	strace $0x8FFFFFFF  }
0x98: {  	s18 =	sld [smem:$0x3FDB];
	_ =	sdelay $0x1  }
0x99: {  	s19 =	simm.s32 $_scs_section_size  }
0x9a: {  	s4 =	simm.s32 $_size__tile_overlayer_lowered;
	s5 =	simm.s32 $_tile_overlayer_lowered  }
0x9b: {  	s22 =	simm.s32 $0x1BFF;
	s21 =	sshll.u32 s5, $0x1;
	s2 =	sadd.s32 s19, s18  }
0x9c: {  	s6 =	simm.s32 $0x0;
	s20 =	sshll.u32 s4, $0x1;
	s4 =	sadd.s32 s21, s2  }
0x9d: {  	[timem:s6], [sflag:s22] =	dma.local [hbm:s4], s20  }
0x9e: {  	_ =	swait.ge [sflag:s22], s20  }
0x9f: {  	s3 =	ssub.s32 $0x0, s20;
	[sflag:s22] =	ssyncset.done $0x0  }
0xa0: {  	[sflag:s22] =	ssyncadd.s32 s3;
	_ =	sdelay $0x1  }
0xa1: {  	s23 =	simm.s32 $0x1B8B  }
0xa2: {  	_ =	swait.ge [sflag:s23], $0x1  }
0xa3: {  	[sflag:s23] =	ssyncset.done $0x0  }
0xa4: {  	s25 =	simm.s32 $0x1B8E;
	s24 =	sld [smem:$0x3FFE];
	[sflag:s23] =	ssyncadd.s32 $0xFFFFFFFF  }
0xa5: {  	s26 =	simm.s32 $execute0_lowered;
	[smem:$0x3FD2] =	sst s25  }
0xa6: {  	s4 =	sshll.u32 s26, $0x1;
	_ =	strace $0x8000004C;
	[dreg:$0x1] =	wrdreg $0xFFFFFFFF  }
0xa7: {  	s28 =	simm.s32 $_size_execute0_lowered;
	s2 =	sadd.s32 s2, s4;
	[dreg:$0x0] =	wrdreg $0x0  }
0xa8: {  	s4 =	sshll.u32 s28, $0x1;
	[dreg:$0x2] =	wrdreg s2  }
0xa9: {  	[dreg:$0x3] =	wrdreg s4  }
0xaa: {  	[dreg:$0x4] =	wrdreg $0xC0  }
0xab: {  	_ =	task [dreg:s6], $0x5FFFF  }
0xac: {  	[dreg:$0x1] =	wrdreg $0xFFFFFFFF  }
0xad: {  	[dreg:$0x0] =	wrdreg $0x60  }
0xae: {  	[dreg:$0x2] =	wrdreg s24  }
0xaf: {  	[dreg:$0x3] =	wrdreg $0xBA000  }
0xb0: {  	[dreg:$0x4] =	wrdreg $0x9  }
0xb1: {  	_ =	task.clear_ibuf [dreg:s6], $0x5FFFF;
	_ =	strace $0x9000004C  }
0xb2: {  	s29 =	simm.s32 $0x9;
	_ =	strace $0x8000004E  }
0xb3: {  	_ =	swait.ge [sflag:s29], $0x1  }
0xb4: {  	[sflag:s29] =	ssyncadd.s32 $0xFFFFFFFF  }
0xb5: {  	_ =	strace $0x9000004E  }
0xb6: {  	_ =	sfence  }
0xb7: {  	s30 =	sld [smem:$0x0];
	_ =	sdelay $0x2  }
0xb8: {  	s31 =	sshll.u32 s1, $0xD;
	s1 =	sshrl.u32 s1, $0x2  }
0xb9: {  	s3 =	sand.u32 $0x4000, s31;
	s1 =	sadd.s32 s1, s30  }
0xba: {  	s0 =	sor.u32 s3, s0;
	s1 =	sshll.u32 s1, $0x11  }
0xbb: {  	s0 =	sor.u32 s1, s0  }
0xbc: {  	s0 =	sadd.s32 $0x8F2B, s0  }
0xbd: {  	[sflag:s0] =	ssyncadd.remote.s32 $0x1  }
0xbe: {  	_ =	sfence.sel $0xFFFF  }
0xbf: {  	[dreg:$0x0] =	wrdreg $0xFFFFFFFF;
	(pc) =	sbr.abs _section_cstart, $3  }
0xc0: {  	[dreg:$0x1] =	wrdreg $0xFFFFFFFF  }
0xc1: {  	_ =	task.clear_ibuf [dreg:s6], $0x2FFFF;
	_ =	strace $0x9FFFFFFF  }
0xc2: {  	(tm) =	ssettm $0x7FFFFFFF  }
0xc3: {  	_ =	shalt  }
tec
execute0_lowered:
.L_overlay_start_1:
0x0: {  	(tag) =	ssettag $0x1  }
0x1: {  	s0 =	srdreg.scid;
	s6 =	rddreg [dreg:$0x0]  }
0x2: {  	s2 =	rddreg [dreg:$0x1];
	s3 =	simm.s32 $0x0;
	s14 =	simm.s32 $0x68  }
0x3: {  	s15 =	simm.s32 $0x5200;
	s16 =	simm.s32 $0x8600;
	s17 =	simm.s32 $0x1  }
0x4: {  	s18 =	simm.s32 $0x2;
	s5 =	sand.u32 $0x1, s0;
	s0 =	stileid.u32  }
0x5: {  	s19 =	simm.s32 $0x2838;
	s20 =	simm.s32 $0x50D0;
	s8 =	smul.u32 $0x2800, s0  }
0x6: {  	s21 =	simm.s32 $0x5138;
	s22 =	simm.s32 $0x0;
	s9 =	smul.u32 $0x28000, s5  }
0x7: {  	[smem:$0x7FF] =	sst s3;
	s1 =	sshll.u32 s5, $0x4;
	s29 =	smul.u32 $0x50000, s0  }
0x8: {  	s5 =	ssub.s32 $0x2, s5;
	s31 =	sshll.u32 s0, $0x6;
	s4 =	sor.u32 s0, s1  }
0x9: {  	s1 =	rddreg [dreg:$0x2];
	_ =	strace $0x8000004D;
	s30 =	sshrl.u32 s5, $0x1  }
0xa: {  	s7 =	smul.u32 $0x514, s4;
	s11 =	sadd.s32 s8, s6;
	s8 =	sadd.s32 s8, s9  }
0xb: {  	s4 =	sadd.s32 $0x35400, s6;
	s12 =	ssub.s32 s5, s30;
	s9 =	sadd.s32 s8, s6  }
0xc: {  	s5 =	sadd.s32 $0xD400, s11;
	s10 =	sadd.s32 s7, s6;
	s7 =	sshrl.u32 s29, $0x2  }
0xd: {  	s6 =	sor.u32 $0x1C03, s31;
	s9 =	sadd.s32 $0xC2A00, s9;
	s13 =	sadd.s32 s7, s2  }
0xe: {  	s7 =	sadd.s32 $0xB8600, s10;
	s8 =	sadd.s32 $0xAE200, s10;
	s10 =	smax.u32 s12, $0x1  }
0xf: {  	s12 =	simm.s32 $0x3;
	s11 =	sshrl.u32 s13, $0x3;
	s13 =	simm.s32 $0x2900  }
.LBB2_1:
0x10: {  	[spmem:s11], [sflag:s6] =	dma.local [hbm:s5], $0x2800  }
0x11: {  	_ =	swait.ge [sflag:s12], $0x2800  }
0x12: {  	[sflag:s12] =	ssyncset.done $0x0  }
0x13: {  	[sflag:s12] =	ssyncadd.s32 $0xFFFFD800  }
0x14: {  	[tilespmem:s3], [sflag:$0x3] =	stream.linear.gather [hbm4b:s7+s3], $0x28A0, $0x38;
	[tilespmem:$0x1FA00] =	vst v63  }
0x15: {  	_ =	swait.ge [sflag:s12], $0x28A0  }
0x16: {  	[sflag:s12] =	ssyncset.done $0x0  }
0x17: {  	[sflag:s12] =	ssyncadd.s32 $0xFFFFD760  }
0x18: {  	[tilespmem:s13], [sflag:$0x3] =	stream.linear.gather [hbm4b:s8+s3], $0x28A0, $0x38;
	[tilespmem:$0x1FA00] =	vst v63  }
0x19: {  	_ =	swait.ge [sflag:s12], $0x28A0  }
0x1a: {  	[sflag:s12] =	ssyncset.done $0x0  }
0x1b: {  	[sflag:s12] =	ssyncadd.s32 $0xFFFFD760  }
0x1c: {  	[bflag:$0x0] =	sbarrier.arrive $0xFFFF  }
0x1d: {  	[tilespmem:s15], [sflag:$0x1] =	stream.indirect.gather [hbm4b:s4+s14], $0x80, s3, s14, $0xb8;
	[tilespmem:$0x1FA00] =	vst v63  }
0x1e: {  	s23 =	simm.s32 $0x68  }
0x1f: {  	[tilespmem:s16], [sflag:$0x2] =	stream.indirect.gather [hbm4b:s4+s14], $0x80, s23, s14, $0xb8;
	[tilespmem:$0x1FA00] =	vst v63  }
0x20: {  	_ =	swait.ge [sflag:s17], $0x3400  }
0x21: {  	[sflag:s17] =	ssyncset.done $0x0  }
0x22: {  	s29 =	simm.s32 $0x2900;
	[sflag:s17] =	ssyncadd.s32 $0xFFFFCC00  }
0x23: {  	[spmem:s2] =	stream.indirect.scatter.add.f32 [tilespmem:s15], [sflag:$0x3], $0x80, s29, s14, $0xb8;
	[tilespmem:$0x1FA00] =	vst v63  }
0x24: {  	_ =	swait.ge [sflag:s12], $0x3400  }
0x25: {  	[sflag:s12] =	ssyncset.done $0x0  }
0x26: {  	s30 =	simm.s32 $0xD0;
	[sflag:s12] =	ssyncadd.s32 $0xFFFFCC00  }
0x27: {  	[tilespmem:s15], [sflag:$0x1] =	stream.indirect.gather [hbm4b:s4+s14], $0x80, s30, s14, $0xb8;
	[tilespmem:$0x1FA00] =	vst v63  }
0x28: {  	_ =	swait.ge [sflag:s18], $0x3400  }
0x29: {  	[sflag:s18] =	ssyncset.done $0x0  }
0x2a: {  	s31 =	simm.s32 $0x2968;
	[sflag:s18] =	ssyncadd.s32 $0xFFFFCC00  }
0x2b: {  	[spmem:s2] =	stream.indirect.scatter.add.f32 [tilespmem:s16], [sflag:$0x3], $0x80, s31, s14, $0xb8;
	[tilespmem:$0x1FA00] =	vst v63  }
0x2c: {  	_ =	swait.ge [sflag:s12], $0x3400  }
0x2d: {  	s24 =	simm.s32 $0x680;
	s23 =	simm.s32 $0xD0;
	[sflag:s12] =	ssyncset.done $0x0  }
.LBB2_2:
0x2e: {  	s25 =	sadd.s32 $0x68, s23  }
0x2f: {  	[sflag:s12] =	ssyncadd.s32 $0xFFFFCC00;
	s26 =	smov.u32 s24;
	s28 =	sadd.s32 $0x340, s24  }
0x30: {  	[tilespmem:s16], [sflag:$0x2] =	stream.indirect.gather [hbm4b:s4+s14], $0x80, s25, s14, $0xb8;
	[tilespmem:$0x1FA00] =	vst v63  }
0x31: {  	p0 =	sne.s32 s24, $0x9C00;
	_ =	swait.ge [sflag:s17], $0x3400  }
0x32: {  	[sflag:s17] =	ssyncset.done $0x0  }
0x33: {  	s24 =	sadd.s32 $0x2900, s23;
	[sflag:s17] =	ssyncadd.s32 $0xFFFFCC00  }
0x34: {  	[spmem:s2] =	stream.indirect.scatter.add.f32 [tilespmem:s15], [sflag:$0x3], $0x80, s24, s14, $0xb8;
	[tilespmem:$0x1FA00] =	vst v63  }
0x35: {  	_ =	swait.ge [sflag:s12], $0x3400  }
0x36: {  	[sflag:s12] =	ssyncset.done $0x0  }
0x37: {  	s24 =	sadd.s32 $0xD0, s23;
	[sflag:s12] =	ssyncadd.s32 $0xFFFFCC00  }
0x38: {  	[tilespmem:s15], [sflag:$0x1] =	stream.indirect.gather [hbm4b:s4+s14], $0x80, s24, s14, $0xb8;
	[tilespmem:$0x1FA00] =	vst v63  }
0x39: {  	_ =	swait.ge [sflag:s18], $0x3400  }
.Ltmp0:
0x3a: {  	[sflag:s18] =	ssyncset.done $0x0;
	(pc) =	sbr.rel @p0 .LBB2_2-.Ltmp0, $4  }
0x3b: {  	s23 =	sadd.s32 $0x2968, s23;
	[sflag:s18] =	ssyncadd.s32 $0xFFFFCC00  }
0x3c: {  	[spmem:s2] =	stream.indirect.scatter.add.f32 [tilespmem:s16], [sflag:$0x3], $0x80, s23, s14, $0xb8;
	[tilespmem:$0x1FA00] =	vst v63  }
0x3d: {  	_ =	swait.ge [sflag:s12], $0x3400  }
0x3e: {  	s24 =	smov.u32 s28;
	s23 =	sshra.s32 s26, $0x2;
	[sflag:s12] =	ssyncset.done $0x0  }
0x3f: {  	s24 =	sadd.s32 $0x68, s23;
	[sflag:s12] =	ssyncadd.s32 $0xFFFFCC00  }
0x40: {  	[tilespmem:s16], [sflag:$0x2] =	stream.indirect.gather [hbm4b:s4+s14], $0x80, s24, s14, $0xb8;
	[tilespmem:$0x1FA00] =	vst v63  }
0x41: {  	_ =	swait.ge [sflag:s17], $0x3400  }
0x42: {  	[sflag:s17] =	ssyncset.done $0x0  }
0x43: {  	s29 =	sadd.s32 $0x2900, s23;
	[sflag:s17] =	ssyncadd.s32 $0xFFFFCC00  }
0x44: {  	[spmem:s2] =	stream.indirect.scatter.add.f32 [tilespmem:s15], [sflag:$0x3], $0x80, s29, s14, $0xb8;
	[tilespmem:$0x1FA00] =	vst v63  }
0x45: {  	_ =	swait.ge [sflag:s12], $0x3400  }
0x46: {  	[sflag:s12] =	ssyncset.done $0x0  }
0x47: {  	s30 =	sadd.s32 $0xD0, s23;
	[sflag:s12] =	ssyncadd.s32 $0xFFFFCC00  }
0x48: {  	[tilespmem:s15], [sflag:$0x1] =	stream.indirect.gather [hbm4b:s4+s14], $0x80, s30, s14, $0xb8;
	[tilespmem:$0x1FA00] =	vst v63  }
0x49: {  	_ =	swait.ge [sflag:s18], $0x3400  }
0x4a: {  	[sflag:s18] =	ssyncset.done $0x0  }
0x4b: {  	s31 =	sadd.s32 $0x2968, s23;
	[sflag:s18] =	ssyncadd.s32 $0xFFFFCC00  }
0x4c: {  	[spmem:s2] =	stream.indirect.scatter.add.f32 [tilespmem:s16], [sflag:$0x3], $0x80, s31, s14, $0xb8;
	[tilespmem:$0x1FA00] =	vst v63  }
0x4d: {  	_ =	swait.ge [sflag:s12], $0x3400  }
0x4e: {  	[sflag:s12] =	ssyncset.done $0x0  }
0x4f: {  	[sflag:s12] =	ssyncadd.s32 $0xFFFFCC00  }
0x50: {  	[tilespmem:s16], [sflag:$0x2] =	stream.indirect.gather [hbm4b:s4+s14], $0x80, s19, s14, $0xb8;
	[tilespmem:$0x1FA00] =	vst v63  }
0x51: {  	_ =	swait.ge [sflag:s17], $0x3400  }
0x52: {  	[sflag:s17] =	ssyncset.done $0x0  }
0x53: {  	[sflag:s17] =	ssyncadd.s32 $0xFFFFCC00  }
0x54: {  	[spmem:s2] =	stream.indirect.scatter.add.f32 [tilespmem:s15], [sflag:$0x3], $0x80, s20, s14, $0xb8;
	[tilespmem:$0x1FA00] =	vst v63  }
0x55: {  	_ =	swait.ge [sflag:s12], $0x3400  }
0x56: {  	[sflag:s12] =	ssyncset.done $0x0  }
0x57: {  	[sflag:s12] =	ssyncadd.s32 $0xFFFFCC00  }
0x58: {  	_ =	swait.ge [sflag:s18], $0x3400  }
0x59: {  	[sflag:s18] =	ssyncset.done $0x0  }
0x5a: {  	[sflag:s18] =	ssyncadd.s32 $0xFFFFCC00  }
0x5b: {  	[spmem:s2] =	stream.indirect.scatter.add.f32 [tilespmem:s16], [sflag:$0x3], $0x80, s21, s14, $0xb8;
	[tilespmem:$0x1FA00] =	vst v63  }
0x5c: {  	_ =	swait.ge [sflag:s12], $0x3400  }
0x5d: {  	s22 =	sadd.s32 $0x1, s22;
	[sflag:s12] =	ssyncset.done $0x0  }
0x5e: {  	p0 =	sne.s32 s22, s10;
	[sflag:s12] =	ssyncadd.s32 $0xFFFFCC00  }
.Ltmp1:
0x5f: {  	[bflag:$0x0] =	sbarrier.arrive $0xFFFF;
	(pc) =	sbr.rel @p0 .LBB2_1-.Ltmp1, $4  }
0x60: {  	[hbm:s9], [sflag:s6] =	dma.local [spmem:s11], $0x2800  }
0x61: {  	_ =	swait.ge [sflag:s12], $0x2800  }
0x62: {  	[sflag:s12] =	ssyncset.done $0x0  }
0x63: {  	[sflag:s12] =	ssyncadd.s32 $0xFFFFD800  }
0x64: {  	_ =	sfence.sel $0x180000  }
0x65: {  	[bflag:$0x0] =	sbarrier.arrive $0xFFFF  }
0x66: {  	p0 =	sne.s32 s0, $0x0;
	_ =	strace $0x9000004D  }
0x67: {  	s0 =	sadd.s32 @!p0 $0x100000, s1;
	[bflag:$0x2] =	sbarrier.arrive $0xFFFF  }
0x68: {  	[sflag:s0] =	ssyncadd.tile.s32 @!p0 $0x1;
	_ =	shalt  }
.Lfunc_end2:
_tile_overlayer_lowered:
.L_overlay_start_2:
0x69: {  	(tag) =	ssettag $0x2  }
0x6a: {  	s0 =	rddreg [dreg:$0x0];
	s2 =	stileid.u32  }
0x6b: {  	s1 =	rddreg [dreg:$0x1];
	p0 =	sne.s32 s2, $0x0  }
0x6c: {  	s3 =	rddreg [dreg:$0x2];
	[bflag:$0x3] =	sbarrier.arrive $0xFFFF;
	s2 =	simm.s32 @!p0 $0x1C03  }
0x6d: {  	[timem:s3], [sflag:s2] =	dma.local @!p0 [hbm:s0], s1  }
0x6e: {  	s0 =	simm.s32 @!p0 $0x3  }
0x6f: {  	_ =	swait.ge @!p0 [sflag:s0], s1  }
0x70: {  	s1 =	ssub.s32 @!p0 $0x0, s1;
	[sflag:s0] =	ssyncset.done @!p0 $0x0  }
0x71: {  	[sflag:s0] =	ssyncadd.s32 @!p0 s1  }
0x72: {  	[bflag:$0x3] =	sbarrier.arrive $0xFFFF  }
0x73: {  	_ =	shalt  }

// kernel: kernel.19.cloned.1.call-start
scs
__scs_entry_jumppad:
0x0: {  	(pc) =	sbr.rel $0x88, $3  }
0x1: {  	(tag) =	ssettag $0x0;
	lr =	simm.s32 $0x1  }
0x2: {  	[smem:$0x3F95] =	sst lr;
	_ =	strace $0xD0000000  }
0x3: {  	_ = 	snop  }
0x4: {  	_ = 	snop  }
0x5: {  	_ = 	snop  }
0x6: {  	_ = 	snop  }
0x7: {  	_ = 	snop  }
__scs_overlays_trampoline_lowered:
0x8: {  	[smem:$0x3FA4] =	sst s0  }
0x9: {  	[smem:$0x3FA5] =	sst s1  }
0xa: {  	[smem:$0x3FA6] =	sst s2  }
0xb: {  	[smem:$0x3FA7] =	sst s3  }
0xc: {  	[smem:$0x3FA8] =	sst s4  }
0xd: {  	[smem:$0x3FA9] =	sst s5  }
0xe: {  	[smem:$0x3FAA] =	sst s6  }
0xf: {  	[smem:$0x3FAB] =	sst s7  }
0x10: {  	[smem:$0x3FAC] =	sst s8  }
0x11: {  	[smem:$0x3FAD] =	sst s9;
	s0 =	simm.s32 @!p0 $0x0  }
0x12: {  	s1 =	sld [smem:$0x3F93];
	s0 =	simm.s32 @p0 $0x1  }
0x13: {  	[smem:$0x3FAE] =	sst s0;
	s0 =	simm.s32 @!p1 $0x0  }
0x14: {  	s2 =	sld [smem:$0x3F92];
	s0 =	simm.s32 @p1 $0x1  }
0x15: {  	[smem:$0x3FAF] =	sst s0;
	s0 =	simm.s32 @!p2 $0x0  }
0x16: {  	s3 =	sld [smem:$0x3FDB];
	s0 =	simm.s32 @p2 $0x1  }
0x17: {  	s4 =	simm.s32 $0x1BF5;
	[smem:$0x3FB1] =	sst s0  }
0x18: {  	s0 =	sld [smem:$0x3F94];
	_ =	swait.ge [sflag:s4], $0x0  }
0x19: {  	s7 =	sld [smem:$0x3F95]  }
0x1a: {  	s8 =	sadd.s32 $0xFFFFE003, lr  }
0x1b: {  	s9 =	sadd.s32 $0xFFFFFEF7, lr;
	s5 =	simm.s32 $0xFFFFFFFF;
	p2 =	slt.u32 s8, $0xFFFFF086  }
0x1c: {  	p1 =	slt.u32 s9, $0xF7A;
	s5 =	simm.s32 @!p2 $0x0  }
0x1d: {  	s5 =	simm.s32 @p1 $0x1;
	p0 =	seq.s32 s7, s2  }
0x1e: {  	s7 =	smul.u32 @!p0 $0xF7A, s2;
	p2 =	seq.s32 @!p0 s5, $0x0  }
0x1f: {  	s9 =	smul.u32 $0xF7A, s1;
	s8 =	simm.s32 @!p0 $0x1BF5;
	p2 =	por !p2, p0  }
0x20: {  	[sflag:s8] =	ssyncset.s32 @!p0 $0xFFFFF086;
	s6 =	sadd.s32 @!p0 s3, s7;
	s7 =	simm.s32 @!p0 $0x108  }
0x21: {  	s3 =	sadd.s32 s3, s9;
	s6 =	sadd.s32 @!p0 $0x88, s6;
	s7 =	simm.s32 @p2 $0x1082  }
0x22: {  	[simem:s7], [sflag:s8] =	dma.local @!p0 [hbm:s6], $0xF7A  }
0x23: {  	s9 =	sor.u32 $0xD0000000, s2;
	s6 =	simm.s32 $0x108;
	_ =	swait.ge @!p0 [sflag:s8], $0x0  }
0x24: {  	s3 =	sadd.s32 $0x88, s3;
	s6 =	simm.s32 @!p1 $0x1082;
	[sflag:s4] =	ssyncset.s32 $0xFFFFF086  }
0x25: {  	[simem:s6], [sflag:s4] =	dma.local [hbm:s3], $0xF7A  }
0x26: {  	[smem:$0x3F95] =	sst s1;
	(tag) =	ssettag s2;
	_ =	strace s9  }
0x27: {  	s1 =	sld [smem:$0x3FA5]  }
0x28: {  	s2 =	sld [smem:$0x3FA6]  }
0x29: {  	s4 =	sld [smem:$0x3FA8]  }
0x2a: {  	p0 =	seq.s32 s5, $0x0;
	s5 =	sld [smem:$0x3FA9]  }
0x2b: {  	s6 =	sld [smem:$0x3FAA]  }
0x2c: {  	s7 =	sld [smem:$0x3FAB]  }
0x2d: {  	s3 =	simm.s32 $0x108;
	s8 =	sld [smem:$0x3FAC]  }
0x2e: {  	s3 =	simm.s32 @!p0 $0x1082;
	s9 =	sld [smem:$0x3FAD]  }
0x2f: {  	lr =	sadd.s32 s0, s3;
	s0 =	sld [smem:$0x3FA4]  }
0x30: {  	s3 =	sld [smem:$0x3FA7]  }
0x31: {  	[smem:$0x3FB0] =	sst s10  }
0x32: {  	s10 =	sld [smem:$0x3FAE];
	_ =	sdelay $0x3  }
0x33: {  	p0 =	seq.s32 s10, $0x1;
	s10 =	sld [smem:$0x3FB0];
	_ =	sdelay $0x3  }
0x34: {  	[smem:$0x3FB0] =	sst s10  }
0x35: {  	s10 =	sld [smem:$0x3FAF];
	_ =	sdelay $0x3  }
0x36: {  	p1 =	seq.s32 s10, $0x1;
	s10 =	sld [smem:$0x3FB0];
	_ =	sdelay $0x3  }
0x37: {  	[smem:$0x3FB0] =	sst s10  }
0x38: {  	s10 =	sld [smem:$0x3FB1]  }
0x39: {  	_ = 	snop;
	(pc) =	sbr.ind lr, $3  }
0x3a: {  	_ = 	snop  }
0x3b: {  	_ = 	snop  }
0x3c: {  	p2 =	seq.s32 s10, $0x1;
	s10 =	sld [smem:$0x3FB0]  }
0x3d: {  	_ =	shalt  }
0x3e: {  	_ =	shalt  }
0x3f: {  	_ =	shalt  }
0x40: {  	_ =	shalt  }
0x41: {  	_ =	shalt  }
0x42: {  	_ =	shalt  }
0x43: {  	_ =	shalt  }
0x44: {  	_ =	shalt  }
0x45: {  	_ =	shalt  }
0x46: {  	_ =	shalt  }
0x47: {  	_ =	shalt  }
0x48: {  	_ =	shalt  }
0x49: {  	_ =	shalt  }
0x4a: {  	_ =	shalt  }
0x4b: {  	_ =	shalt  }
0x4c: {  	_ =	shalt  }
0x4d: {  	_ =	shalt  }
0x4e: {  	_ =	shalt  }
0x4f: {  	_ =	shalt  }
0x50: {  	_ =	shalt  }
0x51: {  	_ =	shalt  }
0x52: {  	_ =	shalt  }
0x53: {  	_ =	shalt  }
0x54: {  	_ =	shalt  }
0x55: {  	_ =	shalt  }
0x56: {  	_ =	shalt  }
0x57: {  	_ =	shalt  }
0x58: {  	_ =	shalt  }
0x59: {  	_ =	shalt  }
0x5a: {  	_ =	shalt  }
0x5b: {  	_ =	shalt  }
0x5c: {  	_ =	shalt  }
0x5d: {  	_ =	shalt  }
0x5e: {  	_ =	shalt  }
0x5f: {  	_ =	shalt  }
0x60: {  	_ =	shalt  }
0x61: {  	_ =	shalt  }
0x62: {  	_ =	shalt  }
0x63: {  	_ =	shalt  }
0x64: {  	_ =	shalt  }
0x65: {  	_ =	shalt  }
0x66: {  	_ =	shalt  }
0x67: {  	_ =	shalt  }
0x68: {  	_ =	shalt  }
0x69: {  	_ =	shalt  }
0x6a: {  	_ =	shalt  }
0x6b: {  	_ =	shalt  }
0x6c: {  	_ =	shalt  }
0x6d: {  	_ =	shalt  }
0x6e: {  	_ =	shalt  }
0x6f: {  	_ =	shalt  }
0x70: {  	_ =	shalt  }
0x71: {  	_ =	shalt  }
0x72: {  	_ =	shalt  }
0x73: {  	_ =	shalt  }
0x74: {  	_ =	shalt  }
0x75: {  	_ =	shalt  }
0x76: {  	_ =	shalt  }
0x77: {  	_ =	shalt  }
0x78: {  	_ =	shalt  }
0x79: {  	_ =	shalt  }
0x7a: {  	_ =	shalt  }
0x7b: {  	_ =	shalt  }
0x7c: {  	_ =	shalt  }
0x7d: {  	_ =	shalt  }
0x7e: {  	_ =	shalt  }
0x7f: {  	_ =	shalt  }
0x80: {  	_ =	shalt  }
0x81: {  	_ =	shalt  }
0x82: {  	_ =	shalt  }
0x83: {  	_ =	shalt  }
0x84: {  	_ =	shalt  }
0x85: {  	_ =	shalt  }
0x86: {  	_ =	shalt  }
0x87: {  	_ =	shalt  }
.Lfunc_end0:
.L_simem_size_0:
called_computation.3_lowered:
.L_overlay_start_0:
0x88: {  	s2 =	sld [smem:$0x3FD9]  }
0x89: {  	s3 =	sld [smem:$0x3FFE];
	_ =	sdelay $0x1  }
0x8a: {  	s1 =	srdreg.scid  }
0x8b: {  	s0 =	sand.u32 $0x1, s1  }
0x8c: {  	s17 =	sshll.u32 s0, $0xA;
	s2 =	sadd.s32 s3, s2  }
0x8d: {  	s2 =	sadd.s32 s2, s17  }
0x8e: {  	[smem:$0x3FBC] =	sst s2  }
0x8f: {  	_ = 	snop  }
0x90: {  	s2 =	sld [smem:$0x3FC7];
	(tm) =	ssettm $0x1  }
0x91: {  	s18 =	sld [smem:$0x3FFB];
	_ =	sdelay $0x3  }
0x92: {  	_ =	strace s18  }
0x93: {  	s3 =	sld [smem:$0x3FFC];
	_ =	sdelay $0x3  }
0x94: {  	_ =	strace s3  }
0x95: {  	s3 =	sld [smem:$0x3FFD];
	_ =	sdelay $0x3  }
0x96: {  	_ =	strace s3  }
0x97: {  	_ =	strace $0x8FFFFFFF  }
0x98: {  	s19 =	sld [smem:$0x3FDB];
	_ =	sdelay $0x1  }
0x99: {  	s4 =	simm.s32 $_scs_section_size  }
0x9a: {  	s5 =	simm.s32 $_size__tile_overlayer_lowered;
	s6 =	simm.s32 $_tile_overlayer_lowered  }
0x9b: {  	s22 =	simm.s32 $0x1BFF;
	s21 =	sshll.u32 s6, $0x1;
	s3 =	sadd.s32 s4, s19  }
0x9c: {  	s7 =	simm.s32 $0x0;
	s20 =	sshll.u32 s5, $0x1;
	s5 =	sadd.s32 s21, s3  }
0x9d: {  	[timem:s7], [sflag:s22] =	dma.local [hbm:s5], s20  }
0x9e: {  	_ =	swait.ge [sflag:s22], s20  }
0x9f: {  	s4 =	ssub.s32 $0x0, s20;
	[sflag:s22] =	ssyncset.done $0x0  }
0xa0: {  	[sflag:s22] =	ssyncadd.s32 s4;
	_ =	sdelay $0x1  }
0xa1: {  	s23 =	simm.s32 $0x1B8B  }
0xa2: {  	_ =	swait.ge [sflag:s23], $0x1  }
0xa3: {  	[sflag:s23] =	ssyncset.done $0x0  }
0xa4: {  	s25 =	simm.s32 $0x1B8E;
	s24 =	sld [smem:$0x3FFE];
	[sflag:s23] =	ssyncadd.s32 $0xFFFFFFFF  }
0xa5: {  	s26 =	simm.s32 $execute0_lowered;
	[smem:$0x3FD2] =	sst s25  }
0xa6: {  	s5 =	sshll.u32 s26, $0x1;
	_ =	strace $0x8000004F;
	[dreg:$0x1] =	wrdreg $0xFFFFFFFF  }
0xa7: {  	s28 =	simm.s32 $_size_execute0_lowered;
	s3 =	sadd.s32 s3, s5;
	[dreg:$0x0] =	wrdreg $0x0  }
0xa8: {  	s5 =	sshll.u32 s28, $0x1;
	[dreg:$0x2] =	wrdreg s3  }
0xa9: {  	[dreg:$0x3] =	wrdreg s5  }
0xaa: {  	[dreg:$0x4] =	wrdreg $0xC0  }
0xab: {  	_ =	task [dreg:s7], $0x5FFFF  }
0xac: {  	[dreg:$0x1] =	wrdreg $0xFFFFFFFF  }
0xad: {  	[dreg:$0x0] =	wrdreg $0x60  }
0xae: {  	[dreg:$0x2] =	wrdreg s24  }
0xaf: {  	[dreg:$0x3] =	wrdreg s2  }
0xb0: {  	[dreg:$0x4] =	wrdreg $0x9  }
0xb1: {  	_ =	task.clear_ibuf [dreg:s7], $0x5FFFF;
	_ =	strace $0x9000004F  }
0xb2: {  	s29 =	simm.s32 $0x9;
	_ =	strace $0x80000051  }
0xb3: {  	_ =	swait.ge [sflag:s29], $0x1  }
0xb4: {  	[sflag:s29] =	ssyncadd.s32 $0xFFFFFFFF  }
0xb5: {  	_ =	strace $0x90000051  }
0xb6: {  	_ =	sfence  }
0xb7: {  	s30 =	sld [smem:$0x0];
	_ =	sdelay $0x2  }
0xb8: {  	s31 =	sshll.u32 s1, $0xD;
	s1 =	sshrl.u32 s1, $0x2  }
0xb9: {  	s3 =	sand.u32 $0x4000, s31;
	s1 =	sadd.s32 s1, s30  }
0xba: {  	s0 =	sor.u32 s3, s0;
	s1 =	sshll.u32 s1, $0x11  }
0xbb: {  	s0 =	sor.u32 s1, s0  }
0xbc: {  	s0 =	sadd.s32 $0x8F2B, s0  }
0xbd: {  	[sflag:s0] =	ssyncadd.remote.s32 $0x1  }
0xbe: {  	_ =	sfence.sel $0xFFFF  }
0xbf: {  	[dreg:$0x0] =	wrdreg $0xFFFFFFFF;
	(pc) =	sbr.abs _section_cstart, $3  }
0xc0: {  	[dreg:$0x1] =	wrdreg $0xFFFFFFFF  }
0xc1: {  	_ =	task.clear_ibuf [dreg:s7], $0x2FFFF;
	_ =	strace $0x9FFFFFFF  }
0xc2: {  	(tm) =	ssettm $0x7FFFFFFF  }
0xc3: {  	_ =	shalt  }
tec
execute0_lowered:
.L_overlay_start_1:
0x0: {  	(tag) =	ssettag $0x1  }
0x1: {  	s1 =	srdreg.scid;
	s9 =	rddreg [dreg:$0x0]  }
0x2: {  	s0 =	stileid.u32;
	s3 =	rddreg [dreg:$0x1]  }
0x3: {  	s2 =	simm.s32 $0x0;
	s7 =	simm.s32 $0x80;
	s6 =	sand.u32 $0x1, s1  }
0x4: {  	s5 =	sshll.u32 s0, $0x5;
	s1 =	rddreg [dreg:$0x2];
	s4 =	sshll.u32 s6, $0x9  }
0x5: {  	s8 =	simm.s32 $0x1;
	[smem:$0x7FF] =	sst s2;
	s10 =	sor.u32 s5, s4  }
0x6: {  	_ =	strace $0x80000050;
	s11 =	ssub.s32 $0x2, s6;
	s4 =	sshrl.u32 s10, $0x3  }
0x7: {  	s6 =	simm.s32 $0x20;
	s4 =	sadd.s32 s3, s4;
	s3 =	simm.s32 $0x2  }
0x8: {  	[tilespmem:s2], [sflag:$0x2] =	stream.linear.gather [hbm4b:s4+s2], $0x20, $0x38;
	[tilespmem:$0x1080] =	vst v63  }
0x9: {  	s5 =	sadd.s32 $0x3600, s9;
	s12 =	sshrl.u32 s11, $0x1;
	_ =	swait.ge [sflag:s3], $0x20  }
0xa: {  	s10 =	sshll.u32 s10, $0x4;
	s31 =	ssub.s32 s11, s12;
	[sflag:s3] =	ssyncset.done $0x0  }
0xb: {  	s9 =	sadd.s32 s10, s9;
	s10 =	smax.u32 s31, $0x1;
	[sflag:s3] =	ssyncadd.s32 $0xFFFFFFE0  }
0xc: {  	[tilespmem:s7], [sflag:$0x1] =	stream.indirect.gather [hbm4b:s5+s6], $0x80, s2, s6, $0xb8;
	[tilespmem:$0x1080] =	vst v63  }
0xd: {  	p0 =	sne.s32 s10, $0x1;
	_ =	swait.ge [sflag:s8], $0x1000  }
.Ltmp0:
0xe: {  	[sflag:s8] =	ssyncset.done $0x0;
	(pc) =	sbr.rel @!p0 .LBB2_2-.Ltmp0, $4  }
0xf: {  	s9 =	sadd.s32 $0x2B600, s9;
	[sflag:s8] =	ssyncadd.s32 $0xFFFFF000  }
0x10: {  	[hbm4b:s9+s2] =	stream.linear.scatter [tilespmem:s7], [sflag:$0x2], $0x1000, $0x38;
	[tilespmem:$0x1080] =	vst v63  }
0x11: {  	_ =	swait.ge [sflag:s3], $0x1000  }
0x12: {  	s10 =	sadd.s32 $0xFFFFFFFF, s10;
	[sflag:s3] =	ssyncset.done $0x0  }
.LBB2_1:
0x13: {  	p0 =	sne.s32 s10, $0x1;
	s10 =	sadd.s32 $0xFFFFFFFF, s10;
	[sflag:s3] =	ssyncadd.s32 $0xFFFFF000  }
0x14: {  	[tilespmem:s2], [sflag:$0x2] =	stream.linear.gather [hbm4b:s4+s2], $0x20, $0x38;
	[tilespmem:$0x1080] =	vst v63  }
0x15: {  	_ =	swait.ge [sflag:s3], $0x20  }
0x16: {  	[sflag:s3] =	ssyncset.done $0x0  }
0x17: {  	[sflag:s3] =	ssyncadd.s32 $0xFFFFFFE0  }
0x18: {  	[tilespmem:s7], [sflag:$0x1] =	stream.indirect.gather [hbm4b:s5+s6], $0x80, s2, s6, $0xb8;
	[tilespmem:$0x1080] =	vst v63  }
0x19: {  	_ =	swait.ge [sflag:s8], $0x1000  }
.Ltmp1:
0x1a: {  	[sflag:s8] =	ssyncset.done $0x0;
	(pc) =	sbr.rel @p0 .LBB2_1-.Ltmp1, $4  }
0x1b: {  	[sflag:s8] =	ssyncadd.s32 $0xFFFFF000  }
0x1c: {  	[hbm4b:s9+s2] =	stream.linear.scatter [tilespmem:s7], [sflag:$0x2], $0x1000, $0x38;
	[tilespmem:$0x1080] =	vst v63  }
0x1d: {  	_ =	swait.ge [sflag:s3], $0x1000  }
0x1e: {  	[sflag:s3] =	ssyncset.done $0x0  }
.LBB2_2:
0x1f: {  	[sflag:s3] =	ssyncadd.s32 $0xFFFFF000  }
0x20: {  	_ =	sfence.sel $0x180000  }
0x21: {  	[bflag:$0x0] =	sbarrier.arrive $0xFFFF  }
0x22: {  	p0 =	sne.s32 s0, $0x0;
	_ =	strace $0x90000050  }
0x23: {  	s0 =	sadd.s32 @!p0 $0x100000, s1;
	[bflag:$0x2] =	sbarrier.arrive $0xFFFF  }
0x24: {  	[sflag:s0] =	ssyncadd.tile.s32 @!p0 $0x1;
	_ =	shalt  }
.Lfunc_end2:
_tile_overlayer_lowered:
.L_overlay_start_2:
0x25: {  	(tag) =	ssettag $0x2  }
0x26: {  	s0 =	rddreg [dreg:$0x0];
	s2 =	stileid.u32  }
0x27: {  	s1 =	rddreg [dreg:$0x1];
	p0 =	sne.s32 s2, $0x0  }
0x28: {  	s3 =	rddreg [dreg:$0x2];
	[bflag:$0x3] =	sbarrier.arrive $0xFFFF;
	s2 =	simm.s32 @!p0 $0x1C02  }
0x29: {  	[timem:s3], [sflag:s2] =	dma.local @!p0 [hbm:s0], s1  }
0x2a: {  	s0 =	simm.s32 @!p0 $0x2  }
0x2b: {  	_ =	swait.ge @!p0 [sflag:s0], s1  }
0x2c: {  	s1 =	ssub.s32 @!p0 $0x0, s1;
	[sflag:s0] =	ssyncset.done @!p0 $0x0  }
0x2d: {  	[sflag:s0] =	ssyncadd.s32 @!p0 s1  }
0x2e: {  	[bflag:$0x3] =	sbarrier.arrive $0xFFFF  }
0x2f: {  	_ =	shalt  }

</sc_bundles>
